<compile_context>
chip_gen: v7x
topology: tpu7x:2x2x1
jax: 0.10.2.dev20260603
libtpu: 0.0.44.dev20260713+nightly
codegen_flags: <defaults>
</compile_context>

<pallas_src>
import functools

import jax
import jax.numpy as jnp
from jax import lax
from jax.experimental import pallas as pl
from jax.experimental.pallas import tpu as pltpu
from jax.experimental.pallas import tpu_sc as plsc

K = 1000000
OUT_F = 16384
IN_F = 64
N = OUT_F * IN_F
NW = 32
N_PW = N // NW
CH_A = 31256
CH_LAST = K - 31 * CH_A
CH_PAD = 31296
MASK_HI = -65536


def _sc_pack(mu2d, rho2d):
    mesh = plsc.VectorSubcoreMesh(core_axis_name="c", subcore_axis_name="s")

    @functools.partial(
        pl.kernel,
        mesh=mesh,
        out_type=jax.ShapeDtypeStruct((K,), jnp.int32),
        scratch_types=[
            pltpu.VMEM((CH_PAD,), jnp.float32),
            pltpu.VMEM((CH_PAD,), jnp.float32),
            pltpu.VMEM((CH_PAD,), jnp.int32),
        ],
    )
    def pack_kernel(mu_hbm, rho_hbm, packed_out, mu_v, rho_v, out_v):
        wid = lax.axis_index("s") * 2 + lax.axis_index("c")
        base = wid * CH_A

        @pl.when(wid < NW - 1)
        def _():
            pltpu.sync_copy(mu_hbm.at[0].at[pl.ds(base, CH_A)],
                            mu_v.at[pl.ds(0, CH_A)])
            pltpu.sync_copy(rho_hbm.at[0].at[pl.ds(base, CH_A)],
                            rho_v.at[pl.ds(0, CH_A)])

        @pl.when(wid == NW - 1)
        def _():
            pltpu.sync_copy(mu_hbm.at[0].at[pl.ds(base, CH_LAST)],
                            mu_v.at[pl.ds(0, CH_LAST)])
            pltpu.sync_copy(rho_hbm.at[0].at[pl.ds(base, CH_LAST)],
                            rho_v.at[pl.ds(0, CH_LAST)])

        def body(j, carry):
            for u in range(4):
                off = j * 64 + u * 16
                m = lax.bitcast_convert_type(mu_v[pl.ds(off, 16)], jnp.int32) + 0x8000
                r = lax.bitcast_convert_type(rho_v[pl.ds(off, 16)], jnp.int32) + 0x8000
                packed = (m & MASK_HI) | lax.shift_right_logical(r, 16)
                out_v[pl.ds(off, 16)] = packed
            return carry

        lax.fori_loop(0, CH_PAD // 64, body, 0)

        @pl.when(wid < NW - 1)
        def _():
            pltpu.sync_copy(out_v.at[pl.ds(0, CH_A)],
                            packed_out.at[pl.ds(base, CH_A)])

        @pl.when(wid == NW - 1)
        def _():
            pltpu.sync_copy(out_v.at[pl.ds(0, CH_LAST)],
                            packed_out.at[pl.ds(base, CH_LAST)])

    return pack_kernel(mu2d, rho2d)


def _sc_gather(packed_tab, idx_flat):
    mesh = plsc.VectorSubcoreMesh(core_axis_name="c", subcore_axis_name="s")

    @functools.partial(
        pl.kernel,
        mesh=mesh,
        out_type=jax.ShapeDtypeStruct((IN_F, OUT_F), jnp.int32),
        scratch_types=[
            pltpu.VMEM((N_PW,), jnp.int32),
            pltpu.VMEM((N_PW,), jnp.int32),
            pltpu.SemaphoreType.DMA,
        ],
    )
    def gather_kernel(tab_hbm, idx_hbm, packed_out, idx_v, g_v, sem):
        wid = lax.axis_index("s") * 2 + lax.axis_index("c")
        e0 = pl.multiple_of(wid * N_PW, N_PW)
        pltpu.sync_copy(idx_hbm.at[pl.ds(e0, N_PW)], idx_v)
        pltpu.async_copy(tab_hbm.at[idx_v], g_v, sem).wait()
        row = 2 * wid
        pltpu.sync_copy(g_v.at[pl.ds(0, OUT_F)], packed_out.at[row])
        pltpu.sync_copy(g_v.at[pl.ds(OUT_F, OUT_F)], packed_out.at[row + 1])

    return gather_kernel(packed_tab, idx_flat)


def _tc_combine(packed_g, eps_t):
    BLK = 16

    def body(p_ref, eps_ref, out_ref):
        p = p_ref[...]
        mu = lax.bitcast_convert_type(p & MASK_HI, jnp.float32)
        rho = lax.bitcast_convert_type(lax.shift_left(p, 16), jnp.float32)
        out_ref[...] = mu + jnp.log1p(jnp.exp(rho)) * eps_ref[...]

    return pl.pallas_call(
        body,
        grid=(IN_F // BLK,),
        in_specs=[
            pl.BlockSpec((BLK, OUT_F), lambda i: (i, 0)),
            pl.BlockSpec((BLK, OUT_F), lambda i: (i, 0)),
        ],
        out_specs=pl.BlockSpec((BLK, OUT_F), lambda i: (i, 0)),
        out_shape=jax.ShapeDtypeStruct((IN_F, OUT_F), jnp.float32),
    )(packed_g, eps_t)


def kernel(weight_mu_share, weight_rho_share, eps_w, indices):
    idx_t = jnp.transpose(indices[0], (1, 0)).reshape(N)
    eps_t = jnp.transpose(eps_w[0], (1, 0))
    packed_tab = _sc_pack(weight_mu_share, weight_rho_share)
    packed_g = _sc_gather(packed_tab, idx_t)
    return _tc_combine(packed_g, eps_t)

# --- scband reference (transcript-rebuilt; emitter-appended) ---
"""Pipeline reference for scband-trainable-random-distribution-weight-share-24275155157182 (READ-ONLY COPY).

The authoritative reference and input builder live on the scoring server;
editing this copy changes nothing except your own understanding.
"""

import jax, jax.numpy as jnp
import numpy as np

K = 1000000
OUT_F = 16384
IN_F = 64


def setup_inputs(seed: int = 0) -> dict:
    key = jax.random.key(seed)
    k1, k2, k3, k4 = jax.random.split(key, 4)
    weight_mu_share = jax.random.normal(k1, (1, K), dtype=jnp.float32) * 0.1
    weight_rho_share = jax.random.normal(k2, (1, K), dtype=jnp.float32) - 3.0
    eps_w = jax.random.normal(k3, (1, OUT_F, IN_F), dtype=jnp.float32)
    indices = jax.random.randint(k4, (1, OUT_F, IN_F), 0, K, dtype=jnp.int32)
    return {
        'weight_mu_share': weight_mu_share,
        'weight_rho_share': weight_rho_share,
        'eps_w': eps_w,
        'indices': indices,
    }


def reference(weight_mu_share, weight_rho_share, eps_w, indices):
    # gather_nd with batch_dim=1 and a single batch (dim0 == 1): flat index == raw index
    flat = indices.reshape(-1)
    # gather2D: gather shared weights at (possibly repeated) indices -> weight sharing
    mu = jnp.take(weight_mu_share.reshape(-1), flat, axis=0).reshape(indices.shape)
    rho = jnp.take(weight_rho_share.reshape(-1), flat, axis=0).reshape(indices.shape)
    # sample(): reparameterized sample with softplus sigma
    sigma = jnp.log1p(jnp.exp(rho))
    w = mu + sigma * eps_w
    # return self.w[0].permute(1, 0)
    return jnp.transpose(w[0], (1, 0))

if __name__ == "__main__":
    import jax
    _d = setup_inputs()
    print(jax.jit(kernel)(*tuple(_d.values())))

</pallas_src>

<mosaic_0001>
#map = affine_map<(d0, d1) -> (0)>
#map1 = affine_map<(d0, d1) -> (0, 0)>
module attributes {stable_mosaic.version = 14 : i64} {
  func.func @gather_kernel(%arg0: i32, %arg1: i32, %arg2: memref<1000000xi32, #tpu.memory_space<hbm>>, %arg3: memref<1048576xi32, #tpu.memory_space<hbm>>, %arg4: memref<64x16384xi32, #tpu.memory_space<hbm>>, %arg5: memref<32768xi32, #tpu.memory_space<vmem>>, %arg6: memref<32768xi32, #tpu.memory_space<vmem>>, %arg7: memref<!tpu.dma_semaphore, #tpu.memory_space<semaphore_mem>>) attributes {dimension_semantics = [#tpu.dimension_semantics<core_parallel>, #tpu.dimension_semantics<subcore_parallel>], iteration_bounds = array<i64: 2, 16>, scalar_prefetch = 0 : i64, scratch_operands = 3 : i64, tpu.core_type = #tpu.core_type<sc_vector_subcore>, window_params = [{transform_indices = #map}, {transform_indices = #map}, {transform_indices = #map1}]} {
    %mul3A = arith.constant 2 : i32
    %mul3A_0 = arith.muli %arg1, %mul3A : i32
    %add3A = arith.addi %mul3A_0, %arg0 : i32
    %mul3A_1 = arith.constant 32768 : i32
    %mul3A_2 = arith.muli %add3A, %mul3A_1 : i32
    %multiple_of3A = tpu.assume_multiple %mul3A_2, 32768 : i32
    "tpu.region"() ({
      %run_scoped3A = tpu.sem_alloc : memref<!tpu.dma_semaphore, #tpu.memory_space<semaphore_mem>>
      %dma_start3A_9 = tpu.memref_slice %arg3[%multiple_of3A] : memref<1048576xi32, #tpu.memory_space<hbm>> -> memref<32768xi32, #tpu.memory_space<hbm>>
      %dma_start3A_10 = tpu.memref_slice %arg3[%multiple_of3A] : memref<1048576xi32, #tpu.memory_space<hbm>> -> memref<32768xi32, #tpu.memory_space<hbm>>
      tpu.enqueue_dma source(%dma_start3A_10 : memref<32768xi32, #tpu.memory_space<hbm>>) target(%arg5 : memref<32768xi32, #tpu.memory_space<vmem>>) target_semaphore(%run_scoped3A : memref<!tpu.dma_semaphore, #tpu.memory_space<semaphore_mem>>)
      %dma_wait3A_11 = tpu.memref_slice %arg3[%multiple_of3A] : memref<1048576xi32, #tpu.memory_space<hbm>> -> memref<32768xi32, #tpu.memory_space<hbm>>
      %dma_wait3A_12 = tpu.memref_slice %arg3[%multiple_of3A] : memref<1048576xi32, #tpu.memory_space<hbm>> -> memref<32768xi32, #tpu.memory_space<hbm>>
      tpu.wait_dma2 semaphore(%run_scoped3A : memref<!tpu.dma_semaphore, #tpu.memory_space<semaphore_mem>>) src(%dma_wait3A_12 : memref<32768xi32, #tpu.memory_space<hbm>>) dst(%arg5 : memref<32768xi32, #tpu.memory_space<vmem>>)
      tpu.yield
    }) : () -> ()
    %dma_start3A = arith.constant 0 : i32
    %dma_start3A_3 = tpu.memref_slice %arg2[%dma_start3A] : memref<1000000xi32, #tpu.memory_space<hbm>> -> memref<1000000xi32, #tpu.memory_space<hbm>>
    tpu.enqueue_indirect_dma source(%dma_start3A_3 : memref<1000000xi32, #tpu.memory_space<hbm>>) target(%arg6 : memref<32768xi32, #tpu.memory_space<vmem>>) offsets(%arg5 : memref<32768xi32, #tpu.memory_space<vmem>>) semaphore(%arg7 : memref<!tpu.dma_semaphore, #tpu.memory_space<semaphore_mem>>)
    %dma_wait3A = arith.constant 0 : i32
    %dma_wait3A_4 = tpu.memref_slice %arg2[%dma_wait3A] : memref<1000000xi32, #tpu.memory_space<hbm>> -> memref<1000000xi32, #tpu.memory_space<hbm>>
    tpu.wait_indirect_dma semaphore(%arg7 : memref<!tpu.dma_semaphore, #tpu.memory_space<semaphore_mem>>) src(%dma_wait3A_4 : memref<1000000xi32, #tpu.memory_space<hbm>>) dst(%arg6 : memref<32768xi32, #tpu.memory_space<vmem>>)
    %mul3A_5 = arith.constant 2 : i32
    %mul3A_6 = arith.muli %mul3A_5, %add3A : i32
    "tpu.region"() ({
      %run_scoped3A = tpu.sem_alloc : memref<!tpu.dma_semaphore, #tpu.memory_space<semaphore_mem>>
      %dma_start3A_9 = arith.constant 0 : i32
      %dma_start3A_10 = tpu.memref_slice %arg6[%dma_start3A_9] : memref<32768xi32, #tpu.memory_space<vmem>> -> memref<16384xi32, #tpu.memory_space<vmem>>
      %dma_start3A_11 = arith.constant 0 : i32
      %dma_start3A_12 = tpu.memref_slice %arg4[%mul3A_6, %dma_start3A_11] : memref<64x16384xi32, #tpu.memory_space<hbm>> -> memref<1x16384xi32, #tpu.memory_space<hbm>>
      %dma_start3A_13 = tpu.memref_squeeze %dma_start3A_12 : memref<1x16384xi32, #tpu.memory_space<hbm>> -> memref<16384xi32, #tpu.memory_space<hbm>>
      %dma_start3A_14 = arith.constant 0 : i32
      %dma_start3A_15 = tpu.memref_slice %arg4[%mul3A_6, %dma_start3A_14] : memref<64x16384xi32, #tpu.memory_space<hbm>> -> memref<1x16384xi32, #tpu.memory_space<hbm>>
      %dma_start3A_16 = tpu.memref_squeeze %dma_start3A_15 : memref<1x16384xi32, #tpu.memory_space<hbm>> -> memref<16384xi32, #tpu.memory_space<hbm>>
      %dma_start3A_17 = arith.constant 0 : i32
      %dma_start3A_18 = tpu.memref_slice %arg6[%dma_start3A_17] : memref<32768xi32, #tpu.memory_space<vmem>> -> memref<16384xi32, #tpu.memory_space<vmem>>
      tpu.enqueue_dma source(%dma_start3A_18 : memref<16384xi32, #tpu.memory_space<vmem>>) target(%dma_start3A_16 : memref<16384xi32, #tpu.memory_space<hbm>>) target_semaphore(%run_scoped3A : memref<!tpu.dma_semaphore, #tpu.memory_space<semaphore_mem>>)
      %dma_wait3A_19 = arith.constant 0 : i32
      %dma_wait3A_20 = tpu.memref_slice %arg6[%dma_wait3A_19] : memref<32768xi32, #tpu.memory_space<vmem>> -> memref<16384xi32, #tpu.memory_space<vmem>>
      %dma_wait3A_21 = arith.constant 0 : i32
      %dma_wait3A_22 = tpu.memref_slice %arg4[%mul3A_6, %dma_wait3A_21] : memref<64x16384xi32, #tpu.memory_space<hbm>> -> memref<1x16384xi32, #tpu.memory_space<hbm>>
      %dma_wait3A_23 = tpu.memref_squeeze %dma_wait3A_22 : memref<1x16384xi32, #tpu.memory_space<hbm>> -> memref<16384xi32, #tpu.memory_space<hbm>>
      %dma_wait3A_24 = arith.constant 0 : i32
      %dma_wait3A_25 = tpu.memref_slice %arg4[%mul3A_6, %dma_wait3A_24] : memref<64x16384xi32, #tpu.memory_space<hbm>> -> memref<1x16384xi32, #tpu.memory_space<hbm>>
      %dma_wait3A_26 = tpu.memref_squeeze %dma_wait3A_25 : memref<1x16384xi32, #tpu.memory_space<hbm>> -> memref<16384xi32, #tpu.memory_space<hbm>>
      %dma_wait3A_27 = arith.constant 0 : i32
      %dma_wait3A_28 = tpu.memref_slice %arg6[%dma_wait3A_27] : memref<32768xi32, #tpu.memory_space<vmem>> -> memref<16384xi32, #tpu.memory_space<vmem>>
      tpu.wait_dma2 semaphore(%run_scoped3A : memref<!tpu.dma_semaphore, #tpu.memory_space<semaphore_mem>>) src(%dma_wait3A_28 : memref<16384xi32, #tpu.memory_space<vmem>>) dst(%dma_wait3A_26 : memref<16384xi32, #tpu.memory_space<hbm>>)
      tpu.yield
    }) : () -> ()
    %add3A_7 = arith.constant 1 : i32
    %add3A_8 = arith.addi %mul3A_6, %add3A_7 : i32
    "tpu.region"() ({
      %run_scoped3A = tpu.sem_alloc : memref<!tpu.dma_semaphore, #tpu.memory_space<semaphore_mem>>
      %dma_start3A_9 = arith.constant 16384 : i32
      %dma_start3A_10 = tpu.memref_slice %arg6[%dma_start3A_9] : memref<32768xi32, #tpu.memory_space<vmem>> -> memref<16384xi32, #tpu.memory_space<vmem>>
      %dma_start3A_11 = arith.constant 0 : i32
      %dma_start3A_12 = tpu.memref_slice %arg4[%add3A_8, %dma_start3A_11] : memref<64x16384xi32, #tpu.memory_space<hbm>> -> memref<1x16384xi32, #tpu.memory_space<hbm>>
      %dma_start3A_13 = tpu.memref_squeeze %dma_start3A_12 : memref<1x16384xi32, #tpu.memory_space<hbm>> -> memref<16384xi32, #tpu.memory_space<hbm>>
      %dma_start3A_14 = arith.constant 0 : i32
      %dma_start3A_15 = tpu.memref_slice %arg4[%add3A_8, %dma_start3A_14] : memref<64x16384xi32, #tpu.memory_space<hbm>> -> memref<1x16384xi32, #tpu.memory_space<hbm>>
      %dma_start3A_16 = tpu.memref_squeeze %dma_start3A_15 : memref<1x16384xi32, #tpu.memory_space<hbm>> -> memref<16384xi32, #tpu.memory_space<hbm>>
      %dma_start3A_17 = arith.constant 16384 : i32
      %dma_start3A_18 = tpu.memref_slice %arg6[%dma_start3A_17] : memref<32768xi32, #tpu.memory_space<vmem>> -> memref<16384xi32, #tpu.memory_space<vmem>>
      tpu.enqueue_dma source(%dma_start3A_18 : memref<16384xi32, #tpu.memory_space<vmem>>) target(%dma_start3A_16 : memref<16384xi32, #tpu.memory_space<hbm>>) target_semaphore(%run_scoped3A : memref<!tpu.dma_semaphore, #tpu.memory_space<semaphore_mem>>)
      %dma_wait3A_19 = arith.constant 16384 : i32
      %dma_wait3A_20 = tpu.memref_slice %arg6[%dma_wait3A_19] : memref<32768xi32, #tpu.memory_space<vmem>> -> memref<16384xi32, #tpu.memory_space<vmem>>
      %dma_wait3A_21 = arith.constant 0 : i32
      %dma_wait3A_22 = tpu.memref_slice %arg4[%add3A_8, %dma_wait3A_21] : memref<64x16384xi32, #tpu.memory_space<hbm>> -> memref<1x16384xi32, #tpu.memory_space<hbm>>
      %dma_wait3A_23 = tpu.memref_squeeze %dma_wait3A_22 : memref<1x16384xi32, #tpu.memory_space<hbm>> -> memref<16384xi32, #tpu.memory_space<hbm>>
      %dma_wait3A_24 = arith.constant 0 : i32
      %dma_wait3A_25 = tpu.memref_slice %arg4[%add3A_8, %dma_wait3A_24] : memref<64x16384xi32, #tpu.memory_space<hbm>> -> memref<1x16384xi32, #tpu.memory_space<hbm>>
      %dma_wait3A_26 = tpu.memref_squeeze %dma_wait3A_25 : memref<1x16384xi32, #tpu.memory_space<hbm>> -> memref<16384xi32, #tpu.memory_space<hbm>>
      %dma_wait3A_27 = arith.constant 16384 : i32
      %dma_wait3A_28 = tpu.memref_slice %arg6[%dma_wait3A_27] : memref<32768xi32, #tpu.memory_space<vmem>> -> memref<16384xi32, #tpu.memory_space<vmem>>
      tpu.wait_dma2 semaphore(%run_scoped3A : memref<!tpu.dma_semaphore, #tpu.memory_space<semaphore_mem>>) src(%dma_wait3A_28 : memref<16384xi32, #tpu.memory_space<vmem>>) dst(%dma_wait3A_26 : memref<16384xi32, #tpu.memory_space<hbm>>)
      tpu.yield
    }) : () -> ()
    return
  }
}

#map = affine_map<(d0, d1) -> (0, 0)>
#map1 = affine_map<(d0, d1) -> (0)>
module attributes {stable_mosaic.version = 14 : i64} {
  func.func @pack_kernel(%arg0: i32, %arg1: i32, %arg2: memref<1x1000000xf32, #tpu.memory_space<hbm>>, %arg3: memref<1x1000000xf32, #tpu.memory_space<hbm>>, %arg4: memref<1000000xi32, #tpu.memory_space<hbm>>, %arg5: memref<31296xf32, #tpu.memory_space<vmem>>, %arg6: memref<31296xf32, #tpu.memory_space<vmem>>, %arg7: memref<31296xi32, #tpu.memory_space<vmem>>) attributes {dimension_semantics = [#tpu.dimension_semantics<core_parallel>, #tpu.dimension_semantics<subcore_parallel>], iteration_bounds = array<i64: 2, 16>, scalar_prefetch = 0 : i64, scratch_operands = 3 : i64, tpu.core_type = #tpu.core_type<sc_vector_subcore>, window_params = [{transform_indices = #map}, {transform_indices = #map}, {transform_indices = #map1}]} {
    %mul3A = arith.constant 2 : i32
    %mul3A_0 = arith.muli %arg1, %mul3A : i32
    %add3A = arith.addi %mul3A_0, %arg0 : i32
    %mul3A_1 = arith.constant 31256 : i32
    %mul3A_2 = arith.muli %add3A, %mul3A_1 : i32
    %lt3A = arith.constant 31 : i32
    %lt3A_3 = arith.cmpi slt, %add3A, %lt3A : i32
    %convert_element_type3A = arith.extui %lt3A_3 : i1 to i32
    %cond3A = arith.constant 0 : i32
    %cond3A_4 = arith.cmpi ne, %convert_element_type3A, %cond3A : i32
    scf.if %cond3A_4 {
      %run_scoped3A = arith.constant 0 : i32
      "tpu.region"() ({
        %run_scoped3A_25 = tpu.sem_alloc : memref<!tpu.dma_semaphore, #tpu.memory_space<semaphore_mem>>
        %dma_start3A = arith.constant 0 : i32
        %dma_start3A_26 = tpu.memref_slice %arg5[%dma_start3A] : memref<31296xf32, #tpu.memory_space<vmem>> -> memref<31256xf32, #tpu.memory_space<vmem>>
        %dma_start3A_27 = arith.constant 0 : i32
        %dma_start3A_28 = tpu.memref_slice %arg2[%run_scoped3A, %dma_start3A_27] : memref<1x1000000xf32, #tpu.memory_space<hbm>> -> memref<1x1000000xf32, #tpu.memory_space<hbm>>
        %dma_start3A_29 = tpu.memref_squeeze %dma_start3A_28 : memref<1x1000000xf32, #tpu.memory_space<hbm>> -> memref<1000000xf32, #tpu.memory_space<hbm>>
        %dma_start3A_30 = tpu.memref_slice %dma_start3A_29[%mul3A_2] : memref<1000000xf32, #tpu.memory_space<hbm>> -> memref<31256xf32, #tpu.memory_space<hbm>>
        %dma_start3A_31 = arith.constant 0 : i32
        %dma_start3A_32 = tpu.memref_slice %arg5[%dma_start3A_31] : memref<31296xf32, #tpu.memory_space<vmem>> -> memref<31256xf32, #tpu.memory_space<vmem>>
        %dma_start3A_33 = arith.constant 0 : i32
        %dma_start3A_34 = tpu.memref_slice %arg2[%run_scoped3A, %dma_start3A_33] : memref<1x1000000xf32, #tpu.memory_space<hbm>> -> memref<1x1000000xf32, #tpu.memory_space<hbm>>
        %dma_start3A_35 = tpu.memref_squeeze %dma_start3A_34 : memref<1x1000000xf32, #tpu.memory_space<hbm>> -> memref<1000000xf32, #tpu.memory_space<hbm>>
        %dma_start3A_36 = tpu.memref_slice %dma_start3A_35[%mul3A_2] : memref<1000000xf32, #tpu.memory_space<hbm>> -> memref<31256xf32, #tpu.memory_space<hbm>>
        tpu.enqueue_dma source(%dma_start3A_36 : memref<31256xf32, #tpu.memory_space<hbm>>) target(%dma_start3A_32 : memref<31256xf32, #tpu.memory_space<vmem>>) target_semaphore(%run_scoped3A_25 : memref<!tpu.dma_semaphore, #tpu.memory_space<semaphore_mem>>)
        %dma_wait3A = arith.constant 0 : i32
        %dma_wait3A_37 = tpu.memref_slice %arg5[%dma_wait3A] : memref<31296xf32, #tpu.memory_space<vmem>> -> memref<31256xf32, #tpu.memory_space<vmem>>
        %dma_wait3A_38 = arith.constant 0 : i32
        %dma_wait3A_39 = tpu.memref_slice %arg2[%run_scoped3A, %dma_wait3A_38] : memref<1x1000000xf32, #tpu.memory_space<hbm>> -> memref<1x1000000xf32, #tpu.memory_space<hbm>>
        %dma_wait3A_40 = tpu.memref_squeeze %dma_wait3A_39 : memref<1x1000000xf32, #tpu.memory_space<hbm>> -> memref<1000000xf32, #tpu.memory_space<hbm>>
        %dma_wait3A_41 = tpu.memref_slice %dma_wait3A_40[%mul3A_2] : memref<1000000xf32, #tpu.memory_space<hbm>> -> memref<31256xf32, #tpu.memory_space<hbm>>
        %dma_wait3A_42 = arith.constant 0 : i32
        %dma_wait3A_43 = tpu.memref_slice %arg5[%dma_wait3A_42] : memref<31296xf32, #tpu.memory_space<vmem>> -> memref<31256xf32, #tpu.memory_space<vmem>>
        %dma_wait3A_44 = arith.constant 0 : i32
        %dma_wait3A_45 = tpu.memref_slice %arg2[%run_scoped3A, %dma_wait3A_44] : memref<1x1000000xf32, #tpu.memory_space<hbm>> -> memref<1x1000000xf32, #tpu.memory_space<hbm>>
        %dma_wait3A_46 = tpu.memref_squeeze %dma_wait3A_45 : memref<1x1000000xf32, #tpu.memory_space<hbm>> -> memref<1000000xf32, #tpu.memory_space<hbm>>
        %dma_wait3A_47 = tpu.memref_slice %dma_wait3A_46[%mul3A_2] : memref<1000000xf32, #tpu.memory_space<hbm>> -> memref<31256xf32, #tpu.memory_space<hbm>>
        tpu.wait_dma2 semaphore(%run_scoped3A_25 : memref<!tpu.dma_semaphore, #tpu.memory_space<semaphore_mem>>) src(%dma_wait3A_47 : memref<31256xf32, #tpu.memory_space<hbm>>) dst(%dma_wait3A_43 : memref<31256xf32, #tpu.memory_space<vmem>>)
        tpu.yield
      }) : () -> ()
      %run_scoped3A_24 = arith.constant 0 : i32
      "tpu.region"() ({
        %run_scoped3A_25 = tpu.sem_alloc : memref<!tpu.dma_semaphore, #tpu.memory_space<semaphore_mem>>
        %dma_start3A = arith.constant 0 : i32
        %dma_start3A_26 = tpu.memref_slice %arg6[%dma_start3A] : memref<31296xf32, #tpu.memory_space<vmem>> -> memref<31256xf32, #tpu.memory_space<vmem>>
        %dma_start3A_27 = arith.constant 0 : i32
        %dma_start3A_28 = tpu.memref_slice %arg3[%run_scoped3A_24, %dma_start3A_27] : memref<1x1000000xf32, #tpu.memory_space<hbm>> -> memref<1x1000000xf32, #tpu.memory_space<hbm>>
        %dma_start3A_29 = tpu.memref_squeeze %dma_start3A_28 : memref<1x1000000xf32, #tpu.memory_space<hbm>> -> memref<1000000xf32, #tpu.memory_space<hbm>>
        %dma_start3A_30 = tpu.memref_slice %dma_start3A_29[%mul3A_2] : memref<1000000xf32, #tpu.memory_space<hbm>> -> memref<31256xf32, #tpu.memory_space<hbm>>
        %dma_start3A_31 = arith.constant 0 : i32
        %dma_start3A_32 = tpu.memref_slice %arg6[%dma_start3A_31] : memref<31296xf32, #tpu.memory_space<vmem>> -> memref<31256xf32, #tpu.memory_space<vmem>>
        %dma_start3A_33 = arith.constant 0 : i32
        %dma_start3A_34 = tpu.memref_slice %arg3[%run_scoped3A_24, %dma_start3A_33] : memref<1x1000000xf32, #tpu.memory_space<hbm>> -> memref<1x1000000xf32, #tpu.memory_space<hbm>>
        %dma_start3A_35 = tpu.memref_squeeze %dma_start3A_34 : memref<1x1000000xf32, #tpu.memory_space<hbm>> -> memref<1000000xf32, #tpu.memory_space<hbm>>
        %dma_start3A_36 = tpu.memref_slice %dma_start3A_35[%mul3A_2] : memref<1000000xf32, #tpu.memory_space<hbm>> -> memref<31256xf32, #tpu.memory_space<hbm>>
        tpu.enqueue_dma source(%dma_start3A_36 : memref<31256xf32, #tpu.memory_space<hbm>>) target(%dma_start3A_32 : memref<31256xf32, #tpu.memory_space<vmem>>) target_semaphore(%run_scoped3A_25 : memref<!tpu.dma_semaphore, #tpu.memory_space<semaphore_mem>>)
        %dma_wait3A = arith.constant 0 : i32
        %dma_wait3A_37 = tpu.memref_slice %arg6[%dma_wait3A] : memref<31296xf32, #tpu.memory_space<vmem>> -> memref<31256xf32, #tpu.memory_space<vmem>>
        %dma_wait3A_38 = arith.constant 0 : i32
        %dma_wait3A_39 = tpu.memref_slice %arg3[%run_scoped3A_24, %dma_wait3A_38] : memref<1x1000000xf32, #tpu.memory_space<hbm>> -> memref<1x1000000xf32, #tpu.memory_space<hbm>>
        %dma_wait3A_40 = tpu.memref_squeeze %dma_wait3A_39 : memref<1x1000000xf32, #tpu.memory_space<hbm>> -> memref<1000000xf32, #tpu.memory_space<hbm>>
        %dma_wait3A_41 = tpu.memref_slice %dma_wait3A_40[%mul3A_2] : memref<1000000xf32, #tpu.memory_space<hbm>> -> memref<31256xf32, #tpu.memory_space<hbm>>
        %dma_wait3A_42 = arith.constant 0 : i32
        %dma_wait3A_43 = tpu.memref_slice %arg6[%dma_wait3A_42] : memref<31296xf32, #tpu.memory_space<vmem>> -> memref<31256xf32, #tpu.memory_space<vmem>>
        %dma_wait3A_44 = arith.constant 0 : i32
        %dma_wait3A_45 = tpu.memref_slice %arg3[%run_scoped3A_24, %dma_wait3A_44] : memref<1x1000000xf32, #tpu.memory_space<hbm>> -> memref<1x1000000xf32, #tpu.memory_space<hbm>>
        %dma_wait3A_46 = tpu.memref_squeeze %dma_wait3A_45 : memref<1x1000000xf32, #tpu.memory_space<hbm>> -> memref<1000000xf32, #tpu.memory_space<hbm>>
        %dma_wait3A_47 = tpu.memref_slice %dma_wait3A_46[%mul3A_2] : memref<1000000xf32, #tpu.memory_space<hbm>> -> memref<31256xf32, #tpu.memory_space<hbm>>
        tpu.wait_dma2 semaphore(%run_scoped3A_25 : memref<!tpu.dma_semaphore, #tpu.memory_space<semaphore_mem>>) src(%dma_wait3A_47 : memref<31256xf32, #tpu.memory_space<hbm>>) dst(%dma_wait3A_43 : memref<31256xf32, #tpu.memory_space<vmem>>)
        tpu.yield
      }) : () -> ()
    } else {
    }
    %eq3A = arith.constant 31 : i32
    %eq3A_5 = arith.cmpi eq, %add3A, %eq3A : i32
    %convert_element_type3A_6 = arith.extui %eq3A_5 : i1 to i32
    %cond3A_7 = arith.constant 0 : i32
    %cond3A_8 = arith.cmpi ne, %convert_element_type3A_6, %cond3A_7 : i32
    scf.if %cond3A_8 {
      %run_scoped3A = arith.constant 0 : i32
      "tpu.region"() ({
        %run_scoped3A_25 = tpu.sem_alloc : memref<!tpu.dma_semaphore, #tpu.memory_space<semaphore_mem>>
        %dma_start3A = arith.constant 0 : i32
        %dma_start3A_26 = tpu.memref_slice %arg5[%dma_start3A] : memref<31296xf32, #tpu.memory_space<vmem>> -> memref<31064xf32, #tpu.memory_space<vmem>>
        %dma_start3A_27 = arith.constant 0 : i32
        %dma_start3A_28 = tpu.memref_slice %arg2[%run_scoped3A, %dma_start3A_27] : memref<1x1000000xf32, #tpu.memory_space<hbm>> -> memref<1x1000000xf32, #tpu.memory_space<hbm>>
        %dma_start3A_29 = tpu.memref_squeeze %dma_start3A_28 : memref<1x1000000xf32, #tpu.memory_space<hbm>> -> memref<1000000xf32, #tpu.memory_space<hbm>>
        %dma_start3A_30 = tpu.memref_slice %dma_start3A_29[%mul3A_2] : memref<1000000xf32, #tpu.memory_space<hbm>> -> memref<31064xf32, #tpu.memory_space<hbm>>
        %dma_start3A_31 = arith.constant 0 : i32
        %dma_start3A_32 = tpu.memref_slice %arg5[%dma_start3A_31] : memref<31296xf32, #tpu.memory_space<vmem>> -> memref<31064xf32, #tpu.memory_space<vmem>>
        %dma_start3A_33 = arith.constant 0 : i32
        %dma_start3A_34 = tpu.memref_slice %arg2[%run_scoped3A, %dma_start3A_33] : memref<1x1000000xf32, #tpu.memory_space<hbm>> -> memref<1x1000000xf32, #tpu.memory_space<hbm>>
        %dma_start3A_35 = tpu.memref_squeeze %dma_start3A_34 : memref<1x1000000xf32, #tpu.memory_space<hbm>> -> memref<1000000xf32, #tpu.memory_space<hbm>>
        %dma_start3A_36 = tpu.memref_slice %dma_start3A_35[%mul3A_2] : memref<1000000xf32, #tpu.memory_space<hbm>> -> memref<31064xf32, #tpu.memory_space<hbm>>
        tpu.enqueue_dma source(%dma_start3A_36 : memref<31064xf32, #tpu.memory_space<hbm>>) target(%dma_start3A_32 : memref<31064xf32, #tpu.memory_space<vmem>>) target_semaphore(%run_scoped3A_25 : memref<!tpu.dma_semaphore, #tpu.memory_space<semaphore_mem>>)
        %dma_wait3A = arith.constant 0 : i32
        %dma_wait3A_37 = tpu.memref_slice %arg5[%dma_wait3A] : memref<31296xf32, #tpu.memory_space<vmem>> -> memref<31064xf32, #tpu.memory_space<vmem>>
        %dma_wait3A_38 = arith.constant 0 : i32
        %dma_wait3A_39 = tpu.memref_slice %arg2[%run_scoped3A, %dma_wait3A_38] : memref<1x1000000xf32, #tpu.memory_space<hbm>> -> memref<1x1000000xf32, #tpu.memory_space<hbm>>
        %dma_wait3A_40 = tpu.memref_squeeze %dma_wait3A_39 : memref<1x1000000xf32, #tpu.memory_space<hbm>> -> memref<1000000xf32, #tpu.memory_space<hbm>>
        %dma_wait3A_41 = tpu.memref_slice %dma_wait3A_40[%mul3A_2] : memref<1000000xf32, #tpu.memory_space<hbm>> -> memref<31064xf32, #tpu.memory_space<hbm>>
        %dma_wait3A_42 = arith.constant 0 : i32
        %dma_wait3A_43 = tpu.memref_slice %arg5[%dma_wait3A_42] : memref<31296xf32, #tpu.memory_space<vmem>> -> memref<31064xf32, #tpu.memory_space<vmem>>
        %dma_wait3A_44 = arith.constant 0 : i32
        %dma_wait3A_45 = tpu.memref_slice %arg2[%run_scoped3A, %dma_wait3A_44] : memref<1x1000000xf32, #tpu.memory_space<hbm>> -> memref<1x1000000xf32, #tpu.memory_space<hbm>>
        %dma_wait3A_46 = tpu.memref_squeeze %dma_wait3A_45 : memref<1x1000000xf32, #tpu.memory_space<hbm>> -> memref<1000000xf32, #tpu.memory_space<hbm>>
        %dma_wait3A_47 = tpu.memref_slice %dma_wait3A_46[%mul3A_2] : memref<1000000xf32, #tpu.memory_space<hbm>> -> memref<31064xf32, #tpu.memory_space<hbm>>
        tpu.wait_dma2 semaphore(%run_scoped3A_25 : memref<!tpu.dma_semaphore, #tpu.memory_space<semaphore_mem>>) src(%dma_wait3A_47 : memref<31064xf32, #tpu.memory_space<hbm>>) dst(%dma_wait3A_43 : memref<31064xf32, #tpu.memory_space<vmem>>)
        tpu.yield
      }) : () -> ()
      %run_scoped3A_24 = arith.constant 0 : i32
      "tpu.region"() ({
        %run_scoped3A_25 = tpu.sem_alloc : memref<!tpu.dma_semaphore, #tpu.memory_space<semaphore_mem>>
        %dma_start3A = arith.constant 0 : i32
        %dma_start3A_26 = tpu.memref_slice %arg6[%dma_start3A] : memref<31296xf32, #tpu.memory_space<vmem>> -> memref<31064xf32, #tpu.memory_space<vmem>>
        %dma_start3A_27 = arith.constant 0 : i32
        %dma_start3A_28 = tpu.memref_slice %arg3[%run_scoped3A_24, %dma_start3A_27] : memref<1x1000000xf32, #tpu.memory_space<hbm>> -> memref<1x1000000xf32, #tpu.memory_space<hbm>>
        %dma_start3A_29 = tpu.memref_squeeze %dma_start3A_28 : memref<1x1000000xf32, #tpu.memory_space<hbm>> -> memref<1000000xf32, #tpu.memory_space<hbm>>
        %dma_start3A_30 = tpu.memref_slice %dma_start3A_29[%mul3A_2] : memref<1000000xf32, #tpu.memory_space<hbm>> -> memref<31064xf32, #tpu.memory_space<hbm>>
        %dma_start3A_31 = arith.constant 0 : i32
        %dma_start3A_32 = tpu.memref_slice %arg6[%dma_start3A_31] : memref<31296xf32, #tpu.memory_space<vmem>> -> memref<31064xf32, #tpu.memory_space<vmem>>
        %dma_start3A_33 = arith.constant 0 : i32
        %dma_start3A_34 = tpu.memref_slice %arg3[%run_scoped3A_24, %dma_start3A_33] : memref<1x1000000xf32, #tpu.memory_space<hbm>> -> memref<1x1000000xf32, #tpu.memory_space<hbm>>
        %dma_start3A_35 = tpu.memref_squeeze %dma_start3A_34 : memref<1x1000000xf32, #tpu.memory_space<hbm>> -> memref<1000000xf32, #tpu.memory_space<hbm>>
        %dma_start3A_36 = tpu.memref_slice %dma_start3A_35[%mul3A_2] : memref<1000000xf32, #tpu.memory_space<hbm>> -> memref<31064xf32, #tpu.memory_space<hbm>>
        tpu.enqueue_dma source(%dma_start3A_36 : memref<31064xf32, #tpu.memory_space<hbm>>) target(%dma_start3A_32 : memref<31064xf32, #tpu.memory_space<vmem>>) target_semaphore(%run_scoped3A_25 : memref<!tpu.dma_semaphore, #tpu.memory_space<semaphore_mem>>)
        %dma_wait3A = arith.constant 0 : i32
        %dma_wait3A_37 = tpu.memref_slice %arg6[%dma_wait3A] : memref<31296xf32, #tpu.memory_space<vmem>> -> memref<31064xf32, #tpu.memory_space<vmem>>
        %dma_wait3A_38 = arith.constant 0 : i32
        %dma_wait3A_39 = tpu.memref_slice %arg3[%run_scoped3A_24, %dma_wait3A_38] : memref<1x1000000xf32, #tpu.memory_space<hbm>> -> memref<1x1000000xf32, #tpu.memory_space<hbm>>
        %dma_wait3A_40 = tpu.memref_squeeze %dma_wait3A_39 : memref<1x1000000xf32, #tpu.memory_space<hbm>> -> memref<1000000xf32, #tpu.memory_space<hbm>>
        %dma_wait3A_41 = tpu.memref_slice %dma_wait3A_40[%mul3A_2] : memref<1000000xf32, #tpu.memory_space<hbm>> -> memref<31064xf32, #tpu.memory_space<hbm>>
        %dma_wait3A_42 = arith.constant 0 : i32
        %dma_wait3A_43 = tpu.memref_slice %arg6[%dma_wait3A_42] : memref<31296xf32, #tpu.memory_space<vmem>> -> memref<31064xf32, #tpu.memory_space<vmem>>
        %dma_wait3A_44 = arith.constant 0 : i32
        %dma_wait3A_45 = tpu.memref_slice %arg3[%run_scoped3A_24, %dma_wait3A_44] : memref<1x1000000xf32, #tpu.memory_space<hbm>> -> memref<1x1000000xf32, #tpu.memory_space<hbm>>
        %dma_wait3A_46 = tpu.memref_squeeze %dma_wait3A_45 : memref<1x1000000xf32, #tpu.memory_space<hbm>> -> memref<1000000xf32, #tpu.memory_space<hbm>>
        %dma_wait3A_47 = tpu.memref_slice %dma_wait3A_46[%mul3A_2] : memref<1000000xf32, #tpu.memory_space<hbm>> -> memref<31064xf32, #tpu.memory_space<hbm>>
        tpu.wait_dma2 semaphore(%run_scoped3A_25 : memref<!tpu.dma_semaphore, #tpu.memory_space<semaphore_mem>>) src(%dma_wait3A_47 : memref<31064xf32, #tpu.memory_space<hbm>>) dst(%dma_wait3A_43 : memref<31064xf32, #tpu.memory_space<vmem>>)
        tpu.yield
      }) : () -> ()
    } else {
    }
    %scan3A = arith.constant 0 : i32
    %scan3A_9 = arith.constant 0 : i32
    %scan3A_10 = arith.constant 489 : i32
    %scan3A_11 = arith.addi %scan3A_9, %scan3A_10 : i32
    %scan3A_12 = arith.constant 1 : i32
    scf.for %scan3A_24 = %scan3A_9 to %scan3A_11 step %scan3A_12  : i32 {
      %mul3A_25 = arith.constant 64 : i32
      %mul3A_26 = arith.muli %scan3A_24, %mul3A_25 : i32
      %add3A_27 = arith.constant 0 : i32
      %add3A_28 = arith.addi %mul3A_26, %add3A_27 : i32
      %get3A = arith.index_cast %add3A_28 : i32 to index
      %get3A_29 = tpu.vector_load %arg5[%get3A] {strides = array<i32>} : memref<31296xf32, #tpu.memory_space<vmem>>, vector<16xf32>,
      %get3A_30 = vector.shape_cast %get3A_29 : vector<16xf32> to vector<16xf32>
      %bitcast_convert_type3A = tpu.bitcast %get3A_30 : vector<16xf32> -> vector<16xi32>
      %add3A_31 = arith.constant 32768 : i32
      %add3A_32 = vector.broadcast %add3A_31 : i32 to vector<16xi32>
      %add3A_33 = arith.addi %bitcast_convert_type3A, %add3A_32 : vector<16xi32>
      %get3A_34 = arith.index_cast %add3A_28 : i32 to index
      %get3A_35 = tpu.vector_load %arg6[%get3A_34] {strides = array<i32>} : memref<31296xf32, #tpu.memory_space<vmem>>, vector<16xf32>,
      %get3A_36 = vector.shape_cast %get3A_35 : vector<16xf32> to vector<16xf32>
      %bitcast_convert_type3A_37 = tpu.bitcast %get3A_36 : vector<16xf32> -> vector<16xi32>
      %add3A_38 = arith.constant 32768 : i32
      %add3A_39 = vector.broadcast %add3A_38 : i32 to vector<16xi32>
      %add3A_40 = arith.addi %bitcast_convert_type3A_37, %add3A_39 : vector<16xi32>
      %and3A = arith.constant -65536 : i32
      %and3A_41 = vector.broadcast %and3A : i32 to vector<16xi32>
      %and3A_42 = arith.andi %add3A_33, %and3A_41 : vector<16xi32>
      %shift_right_logical3A = arith.constant 16 : i32
      %shift_right_logical3A_43 = vector.broadcast %shift_right_logical3A : i32 to vector<16xi32>
      %shift_right_logical3A_44 = arith.shrui %add3A_40, %shift_right_logical3A_43 : vector<16xi32>
      %or3A = arith.ori %and3A_42, %shift_right_logical3A_44 : vector<16xi32>
      %swap3A = arith.index_cast %add3A_28 : i32 to index
      %swap3A_45 = tpu.vector_load %arg7[%swap3A] {strides = array<i32>} : memref<31296xi32, #tpu.memory_space<vmem>>, vector<16xi32>,
      %swap3A_46 = vector.shape_cast %swap3A_45 : vector<16xi32> to vector<16xi32>
      %swap3A_47 = vector.shape_cast %or3A : vector<16xi32> to vector<16xi32>
      tpu.vector_store %arg7[%swap3A], %swap3A_47 {strides = array<i32>} : memref<31296xi32, #tpu.memory_space<vmem>>, vector<16xi32>,
      %mul3A_48 = arith.constant 64 : i32
      %mul3A_49 = arith.muli %scan3A_24, %mul3A_48 : i32
      %add3A_50 = arith.constant 16 : i32
      %add3A_51 = arith.addi %mul3A_49, %add3A_50 : i32
      %get3A_52 = arith.index_cast %add3A_51 : i32 to index
      %get3A_53 = tpu.vector_load %arg5[%get3A_52] {strides = array<i32>} : memref<31296xf32, #tpu.memory_space<vmem>>, vector<16xf32>,
      %get3A_54 = vector.shape_cast %get3A_53 : vector<16xf32> to vector<16xf32>
      %bitcast_convert_type3A_55 = tpu.bitcast %get3A_54 : vector<16xf32> -> vector<16xi32>
      %add3A_56 = arith.constant 32768 : i32
      %add3A_57 = vector.broadcast %add3A_56 : i32 to vector<16xi32>
      %add3A_58 = arith.addi %bitcast_convert_type3A_55, %add3A_57 : vector<16xi32>
      %get3A_59 = arith.index_cast %add3A_51 : i32 to index
      %get3A_60 = tpu.vector_load %arg6[%get3A_59] {strides = array<i32>} : memref<31296xf32, #tpu.memory_space<vmem>>, vector<16xf32>,
      %get3A_61 = vector.shape_cast %get3A_60 : vector<16xf32> to vector<16xf32>
      %bitcast_convert_type3A_62 = tpu.bitcast %get3A_61 : vector<16xf32> -> vector<16xi32>
      %add3A_63 = arith.constant 32768 : i32
      %add3A_64 = vector.broadcast %add3A_63 : i32 to vector<16xi32>
      %add3A_65 = arith.addi %bitcast_convert_type3A_62, %add3A_64 : vector<16xi32>
      %and3A_66 = arith.constant -65536 : i32
      %and3A_67 = vector.broadcast %and3A_66 : i32 to vector<16xi32>
      %and3A_68 = arith.andi %add3A_58, %and3A_67 : vector<16xi32>
      %shift_right_logical3A_69 = arith.constant 16 : i32
      %shift_right_logical3A_70 = vector.broadcast %shift_right_logical3A_69 : i32 to vector<16xi32>
      %shift_right_logical3A_71 = arith.shrui %add3A_65, %shift_right_logical3A_70 : vector<16xi32>
      %or3A_72 = arith.ori %and3A_68, %shift_right_logical3A_71 : vector<16xi32>
      %swap3A_73 = arith.index_cast %add3A_51 : i32 to index
      %swap3A_74 = tpu.vector_load %arg7[%swap3A_73] {strides = array<i32>} : memref<31296xi32, #tpu.memory_space<vmem>>, vector<16xi32>,
      %swap3A_75 = vector.shape_cast %swap3A_74 : vector<16xi32> to vector<16xi32>
      %swap3A_76 = vector.shape_cast %or3A_72 : vector<16xi32> to vector<16xi32>
      tpu.vector_store %arg7[%swap3A_73], %swap3A_76 {strides = array<i32>} : memref<31296xi32, #tpu.memory_space<vmem>>, vector<16xi32>,
      %mul3A_77 = arith.constant 64 : i32
      %mul3A_78 = arith.muli %scan3A_24, %mul3A_77 : i32
      %add3A_79 = arith.constant 32 : i32
      %add3A_80 = arith.addi %mul3A_78, %add3A_79 : i32
      %get3A_81 = arith.index_cast %add3A_80 : i32 to index
      %get3A_82 = tpu.vector_load %arg5[%get3A_81] {strides = array<i32>} : memref<31296xf32, #tpu.memory_space<vmem>>, vector<16xf32>,
      %get3A_83 = vector.shape_cast %get3A_82 : vector<16xf32> to vector<16xf32>
      %bitcast_convert_type3A_84 = tpu.bitcast %get3A_83 : vector<16xf32> -> vector<16xi32>
      %add3A_85 = arith.constant 32768 : i32
      %add3A_86 = vector.broadcast %add3A_85 : i32 to vector<16xi32>
      %add3A_87 = arith.addi %bitcast_convert_type3A_84, %add3A_86 : vector<16xi32>
      %get3A_88 = arith.index_cast %add3A_80 : i32 to index
      %get3A_89 = tpu.vector_load %arg6[%get3A_88] {strides = array<i32>} : memref<31296xf32, #tpu.memory_space<vmem>>, vector<16xf32>,
      %get3A_90 = vector.shape_cast %get3A_89 : vector<16xf32> to vector<16xf32>
      %bitcast_convert_type3A_91 = tpu.bitcast %get3A_90 : vector<16xf32> -> vector<16xi32>
      %add3A_92 = arith.constant 32768 : i32
      %add3A_93 = vector.broadcast %add3A_92 : i32 to vector<16xi32>
      %add3A_94 = arith.addi %bitcast_convert_type3A_91, %add3A_93 : vector<16xi32>
      %and3A_95 = arith.constant -65536 : i32
      %and3A_96 = vector.broadcast %and3A_95 : i32 to vector<16xi32>
      %and3A_97 = arith.andi %add3A_87, %and3A_96 : vector<16xi32>
      %shift_right_logical3A_98 = arith.constant 16 : i32
      %shift_right_logical3A_99 = vector.broadcast %shift_right_logical3A_98 : i32 to vector<16xi32>
      %shift_right_logical3A_100 = arith.shrui %add3A_94, %shift_right_logical3A_99 : vector<16xi32>
      %or3A_101 = arith.ori %and3A_97, %shift_right_logical3A_100 : vector<16xi32>
      %swap3A_102 = arith.index_cast %add3A_80 : i32 to index
      %swap3A_103 = tpu.vector_load %arg7[%swap3A_102] {strides = array<i32>} : memref<31296xi32, #tpu.memory_space<vmem>>, vector<16xi32>,
      %swap3A_104 = vector.shape_cast %swap3A_103 : vector<16xi32> to vector<16xi32>
      %swap3A_105 = vector.shape_cast %or3A_101 : vector<16xi32> to vector<16xi32>
      tpu.vector_store %arg7[%swap3A_102], %swap3A_105 {strides = array<i32>} : memref<31296xi32, #tpu.memory_space<vmem>>, vector<16xi32>,
      %mul3A_106 = arith.constant 64 : i32
      %mul3A_107 = arith.muli %scan3A_24, %mul3A_106 : i32
      %add3A_108 = arith.constant 48 : i32
      %add3A_109 = arith.addi %mul3A_107, %add3A_108 : i32
      %get3A_110 = arith.index_cast %add3A_109 : i32 to index
      %get3A_111 = tpu.vector_load %arg5[%get3A_110] {strides = array<i32>} : memref<31296xf32, #tpu.memory_space<vmem>>, vector<16xf32>,
      %get3A_112 = vector.shape_cast %get3A_111 : vector<16xf32> to vector<16xf32>
      %bitcast_convert_type3A_113 = tpu.bitcast %get3A_112 : vector<16xf32> -> vector<16xi32>
      %add3A_114 = arith.constant 32768 : i32
      %add3A_115 = vector.broadcast %add3A_114 : i32 to vector<16xi32>
      %add3A_116 = arith.addi %bitcast_convert_type3A_113, %add3A_115 : vector<16xi32>
      %get3A_117 = arith.index_cast %add3A_109 : i32 to index
      %get3A_118 = tpu.vector_load %arg6[%get3A_117] {strides = array<i32>} : memref<31296xf32, #tpu.memory_space<vmem>>, vector<16xf32>,
      %get3A_119 = vector.shape_cast %get3A_118 : vector<16xf32> to vector<16xf32>
      %bitcast_convert_type3A_120 = tpu.bitcast %get3A_119 : vector<16xf32> -> vector<16xi32>
      %add3A_121 = arith.constant 32768 : i32
      %add3A_122 = vector.broadcast %add3A_121 : i32 to vector<16xi32>
      %add3A_123 = arith.addi %bitcast_convert_type3A_120, %add3A_122 : vector<16xi32>
      %and3A_124 = arith.constant -65536 : i32
      %and3A_125 = vector.broadcast %and3A_124 : i32 to vector<16xi32>
      %and3A_126 = arith.andi %add3A_116, %and3A_125 : vector<16xi32>
      %shift_right_logical3A_127 = arith.constant 16 : i32
      %shift_right_logical3A_128 = vector.broadcast %shift_right_logical3A_127 : i32 to vector<16xi32>
      %shift_right_logical3A_129 = arith.shrui %add3A_123, %shift_right_logical3A_128 : vector<16xi32>
      %or3A_130 = arith.ori %and3A_126, %shift_right_logical3A_129 : vector<16xi32>
      %swap3A_131 = arith.index_cast %add3A_109 : i32 to index
      %swap3A_132 = tpu.vector_load %arg7[%swap3A_131] {strides = array<i32>} : memref<31296xi32, #tpu.memory_space<vmem>>, vector<16xi32>,
      %swap3A_133 = vector.shape_cast %swap3A_132 : vector<16xi32> to vector<16xi32>
      %swap3A_134 = vector.shape_cast %or3A_130 : vector<16xi32> to vector<16xi32>
      tpu.vector_store %arg7[%swap3A_131], %swap3A_134 {strides = array<i32>} : memref<31296xi32, #tpu.memory_space<vmem>>, vector<16xi32>,
    }
    %scan3A_13 = arith.constant 489 : i32
    %lt3A_14 = arith.constant 31 : i32
    %lt3A_15 = arith.cmpi slt, %add3A, %lt3A_14 : i32
    %convert_element_type3A_16 = arith.extui %lt3A_15 : i1 to i32
    %cond3A_17 = arith.constant 0 : i32
    %cond3A_18 = arith.cmpi ne, %convert_element_type3A_16, %cond3A_17 : i32
    scf.if %cond3A_18 {
      "tpu.region"() ({
        %run_scoped3A = tpu.sem_alloc : memref<!tpu.dma_semaphore, #tpu.memory_space<semaphore_mem>>
        %dma_start3A = arith.constant 0 : i32
        %dma_start3A_24 = tpu.memref_slice %arg7[%dma_start3A] : memref<31296xi32, #tpu.memory_space<vmem>> -> memref<31256xi32, #tpu.memory_space<vmem>>
        %dma_start3A_25 = tpu.memref_slice %arg4[%mul3A_2] : memref<1000000xi32, #tpu.memory_space<hbm>> -> memref<31256xi32, #tpu.memory_space<hbm>>
        %dma_start3A_26 = tpu.memref_slice %arg4[%mul3A_2] : memref<1000000xi32, #tpu.memory_space<hbm>> -> memref<31256xi32, #tpu.memory_space<hbm>>
        %dma_start3A_27 = arith.constant 0 : i32
        %dma_start3A_28 = tpu.memref_slice %arg7[%dma_start3A_27] : memref<31296xi32, #tpu.memory_space<vmem>> -> memref<31256xi32, #tpu.memory_space<vmem>>
        tpu.enqueue_dma source(%dma_start3A_28 : memref<31256xi32, #tpu.memory_space<vmem>>) target(%dma_start3A_26 : memref<31256xi32, #tpu.memory_space<hbm>>) target_semaphore(%run_scoped3A : memref<!tpu.dma_semaphore, #tpu.memory_space<semaphore_mem>>)
        %dma_wait3A = arith.constant 0 : i32
        %dma_wait3A_29 = tpu.memref_slice %arg7[%dma_wait3A] : memref<31296xi32, #tpu.memory_space<vmem>> -> memref<31256xi32, #tpu.memory_space<vmem>>
        %dma_wait3A_30 = tpu.memref_slice %arg4[%mul3A_2] : memref<1000000xi32, #tpu.memory_space<hbm>> -> memref<31256xi32, #tpu.memory_space<hbm>>
        %dma_wait3A_31 = tpu.memref_slice %arg4[%mul3A_2] : memref<1000000xi32, #tpu.memory_space<hbm>> -> memref<31256xi32, #tpu.memory_space<hbm>>
        %dma_wait3A_32 = arith.constant 0 : i32
        %dma_wait3A_33 = tpu.memref_slice %arg7[%dma_wait3A_32] : memref<31296xi32, #tpu.memory_space<vmem>> -> memref<31256xi32, #tpu.memory_space<vmem>>
        tpu.wait_dma2 semaphore(%run_scoped3A : memref<!tpu.dma_semaphore, #tpu.memory_space<semaphore_mem>>) src(%dma_wait3A_33 : memref<31256xi32, #tpu.memory_space<vmem>>) dst(%dma_wait3A_31 : memref<31256xi32, #tpu.memory_space<hbm>>)
        tpu.yield
      }) : () -> ()
    } else {
    }
    %eq3A_19 = arith.constant 31 : i32
    %eq3A_20 = arith.cmpi eq, %add3A, %eq3A_19 : i32
    %convert_element_type3A_21 = arith.extui %eq3A_20 : i1 to i32
    %cond3A_22 = arith.constant 0 : i32
    %cond3A_23 = arith.cmpi ne, %convert_element_type3A_21, %cond3A_22 : i32
    scf.if %cond3A_23 {
      "tpu.region"() ({
        %run_scoped3A = tpu.sem_alloc : memref<!tpu.dma_semaphore, #tpu.memory_space<semaphore_mem>>
        %dma_start3A = arith.constant 0 : i32
        %dma_start3A_24 = tpu.memref_slice %arg7[%dma_start3A] : memref<31296xi32, #tpu.memory_space<vmem>> -> memref<31064xi32, #tpu.memory_space<vmem>>
        %dma_start3A_25 = tpu.memref_slice %arg4[%mul3A_2] : memref<1000000xi32, #tpu.memory_space<hbm>> -> memref<31064xi32, #tpu.memory_space<hbm>>
        %dma_start3A_26 = tpu.memref_slice %arg4[%mul3A_2] : memref<1000000xi32, #tpu.memory_space<hbm>> -> memref<31064xi32, #tpu.memory_space<hbm>>
        %dma_start3A_27 = arith.constant 0 : i32
        %dma_start3A_28 = tpu.memref_slice %arg7[%dma_start3A_27] : memref<31296xi32, #tpu.memory_space<vmem>> -> memref<31064xi32, #tpu.memory_space<vmem>>
        tpu.enqueue_dma source(%dma_start3A_28 : memref<31064xi32, #tpu.memory_space<vmem>>) target(%dma_start3A_26 : memref<31064xi32, #tpu.memory_space<hbm>>) target_semaphore(%run_scoped3A : memref<!tpu.dma_semaphore, #tpu.memory_space<semaphore_mem>>)
        %dma_wait3A = arith.constant 0 : i32
        %dma_wait3A_29 = tpu.memref_slice %arg7[%dma_wait3A] : memref<31296xi32, #tpu.memory_space<vmem>> -> memref<31064xi32, #tpu.memory_space<vmem>>
        %dma_wait3A_30 = tpu.memref_slice %arg4[%mul3A_2] : memref<1000000xi32, #tpu.memory_space<hbm>> -> memref<31064xi32, #tpu.memory_space<hbm>>
        %dma_wait3A_31 = tpu.memref_slice %arg4[%mul3A_2] : memref<1000000xi32, #tpu.memory_space<hbm>> -> memref<31064xi32, #tpu.memory_space<hbm>>
        %dma_wait3A_32 = arith.constant 0 : i32
        %dma_wait3A_33 = tpu.memref_slice %arg7[%dma_wait3A_32] : memref<31296xi32, #tpu.memory_space<vmem>> -> memref<31064xi32, #tpu.memory_space<vmem>>
        tpu.wait_dma2 semaphore(%run_scoped3A : memref<!tpu.dma_semaphore, #tpu.memory_space<semaphore_mem>>) src(%dma_wait3A_33 : memref<31064xi32, #tpu.memory_space<vmem>>) dst(%dma_wait3A_31 : memref<31064xi32, #tpu.memory_space<hbm>>)
        tpu.yield
      }) : () -> ()
    } else {
    }
    return
  }
}

module attributes {stable_mosaic.version = 14 : i64} {
  func.func @body(%arg0: i32, %arg1: memref<16x16384xi32, #tpu.memory_space<vmem>>, %arg2: memref<16x16384xf32, #tpu.memory_space<vmem>>, %arg3: memref<16x16384xf32, #tpu.memory_space<vmem>>) attributes {dimension_semantics = [#tpu.dimension_semantics<arbitrary>], iteration_bounds = array<i64: 4>, scalar_prefetch = 0 : i64, scratch_operands = 0 : i64, tpu.core_type = #tpu.core_type<tc>, window_params = [{transform_indices = @transform_0, window_bounds = array<i64: 16, 16384>}, {transform_indices = @transform_1, window_bounds = array<i64: 16, 16384>}, {transform_indices = @transform_2, window_bounds = array<i64: 16, 16384>}]} {
    %get3A = arith.constant 0 : index
    %get3A_0 = arith.constant 0 : index
    %get3A_1 = vector.load %arg1[%get3A, %get3A_0] : memref<16x16384xi32, #tpu.memory_space<vmem>>, vector<16x16384xi32>
    %and3A = arith.constant -65536 : i32
    %and3A_2 = vector.broadcast %and3A : i32 to vector<16x16384xi32>
    %and3A_3 = arith.andi %get3A_1, %and3A_2 : vector<16x16384xi32>
    %bitcast_convert_type3A = tpu.bitcast %and3A_3 : vector<16x16384xi32> -> vector<16x16384xf32>
    %shift_left3A = arith.constant 16 : i32
    %shift_left3A_4 = vector.broadcast %shift_left3A : i32 to vector<16x16384xi32>
    %shift_left3A_5 = arith.shli %get3A_1, %shift_left3A_4 : vector<16x16384xi32>
    %bitcast_convert_type3A_6 = tpu.bitcast %shift_left3A_5 : vector<16x16384xi32> -> vector<16x16384xf32>
    %exp3A = math.exp %bitcast_convert_type3A_6 : vector<16x16384xf32>
    %log1p3A = math.log1p %exp3A : vector<16x16384xf32>
    %get3A_7 = arith.constant 0 : index
    %get3A_8 = arith.constant 0 : index
    %get3A_9 = vector.load %arg2[%get3A_7, %get3A_8] : memref<16x16384xf32, #tpu.memory_space<vmem>>, vector<16x16384xf32>
    %mul3A = arith.mulf %log1p3A, %get3A_9 : vector<16x16384xf32>
    %add3A = arith.addf %bitcast_convert_type3A, %mul3A : vector<16x16384xf32>
    %swap3A = arith.constant 0 : index
    %swap3A_10 = arith.constant 0 : index
    %swap3A_11 = vector.load %arg3[%swap3A, %swap3A_10] : memref<16x16384xf32, #tpu.memory_space<vmem>>, vector<16x16384xf32>
    tpu.vector_store %arg3[%swap3A, %swap3A_10], %add3A {strides = array<i32>} : memref<16x16384xf32, #tpu.memory_space<vmem>>, vector<16x16384xf32>,
    return
  }
  func.func @transform_0(%arg0: i32) -> (i32, i32) {
    %c0_i32 = arith.constant 0 : i32
    %c0_i32_0 = arith.constant 0 : i32
    return %arg0, %c0_i32 : i32, i32
  }
  func.func @transform_1(%arg0: i32) -> (i32, i32) {
    %c0_i32 = arith.constant 0 : i32
    %c0_i32_0 = arith.constant 0 : i32
    return %arg0, %c0_i32 : i32, i32
  }
  func.func @transform_2(%arg0: i32) -> (i32, i32) {
    %c0_i32 = arith.constant 0 : i32
    %c0_i32_0 = arith.constant 0 : i32
    return %arg0, %c0_i32 : i32, i32
  }
}

</mosaic_0001>

<sc_bundles>
// kernel: kernel.5.cloned.1.call-start
scs
__scs_entry_jumppad:
0x0: {  	(pc) =	sbr.rel $0x88, $3  }
0x1: {  	(tag) =	ssettag $0x0;
	lr =	simm.s32 $0x1  }
0x2: {  	[smem:$0x3F9D] =	sst lr;
	_ =	strace $0xD0000000  }
0x3: {  	_ = 	snop  }
0x4: {  	_ = 	snop  }
0x5: {  	_ = 	snop  }
0x6: {  	_ = 	snop  }
0x7: {  	_ = 	snop  }
__scs_overlays_trampoline_lowered:
0x8: {  	[smem:$0x3FAC] =	sst s0  }
0x9: {  	[smem:$0x3FAD] =	sst s1  }
0xa: {  	[smem:$0x3FAE] =	sst s2  }
0xb: {  	[smem:$0x3FAF] =	sst s3  }
0xc: {  	[smem:$0x3FB0] =	sst s4  }
0xd: {  	[smem:$0x3FB1] =	sst s5  }
0xe: {  	[smem:$0x3FB2] =	sst s6  }
0xf: {  	[smem:$0x3FB3] =	sst s7  }
0x10: {  	[smem:$0x3FB4] =	sst s8  }
0x11: {  	[smem:$0x3FB5] =	sst s9;
	s0 =	simm.s32 @!p0 $0x0  }
0x12: {  	s1 =	sld [smem:$0x3F9B];
	s0 =	simm.s32 @p0 $0x1  }
0x13: {  	[smem:$0x3FB6] =	sst s0;
	s0 =	simm.s32 @!p1 $0x0  }
0x14: {  	s2 =	sld [smem:$0x3F9A];
	s0 =	simm.s32 @p1 $0x1  }
0x15: {  	[smem:$0x3FB7] =	sst s0;
	s0 =	simm.s32 @!p2 $0x0  }
0x16: {  	s3 =	sld [smem:$0x3FDB];
	s0 =	simm.s32 @p2 $0x1  }
0x17: {  	s4 =	simm.s32 $0x1BF5;
	[smem:$0x3FB9] =	sst s0  }
0x18: {  	s0 =	sld [smem:$0x3F9C];
	_ =	swait.ge [sflag:s4], $0x0  }
0x19: {  	s7 =	sld [smem:$0x3F9D]  }
0x1a: {  	s8 =	sadd.s32 $0xFFFFE003, lr  }
0x1b: {  	s9 =	sadd.s32 $0xFFFFFEF7, lr;
	s5 =	simm.s32 $0xFFFFFFFF;
	p2 =	slt.u32 s8, $0xFFFFF086  }
0x1c: {  	p1 =	slt.u32 s9, $0xF7A;
	s5 =	simm.s32 @!p2 $0x0  }
0x1d: {  	s5 =	simm.s32 @p1 $0x1;
	p0 =	seq.s32 s7, s2  }
0x1e: {  	s7 =	smul.u32 @!p0 $0xF7A, s2;
	p2 =	seq.s32 @!p0 s5, $0x0  }
0x1f: {  	s9 =	smul.u32 $0xF7A, s1;
	s8 =	simm.s32 @!p0 $0x1BF5;
	p2 =	por !p2, p0  }
0x20: {  	[sflag:s8] =	ssyncset.s32 @!p0 $0xFFFFF086;
	s6 =	sadd.s32 @!p0 s3, s7;
	s7 =	simm.s32 @!p0 $0x108  }
0x21: {  	s3 =	sadd.s32 s3, s9;
	s6 =	sadd.s32 @!p0 $0x88, s6;
	s7 =	simm.s32 @p2 $0x1082  }
0x22: {  	[simem:s7], [sflag:s8] =	dma.local @!p0 [hbm:s6], $0xF7A  }
0x23: {  	s9 =	sor.u32 $0xD0000000, s2;
	s6 =	simm.s32 $0x108;
	_ =	swait.ge @!p0 [sflag:s8], $0x0  }
0x24: {  	s3 =	sadd.s32 $0x88, s3;
	s6 =	simm.s32 @!p1 $0x1082;
	[sflag:s4] =	ssyncset.s32 $0xFFFFF086  }
0x25: {  	[simem:s6], [sflag:s4] =	dma.local [hbm:s3], $0xF7A  }
0x26: {  	[smem:$0x3F9D] =	sst s1;
	(tag) =	ssettag s2;
	_ =	strace s9  }
0x27: {  	s1 =	sld [smem:$0x3FAD]  }
0x28: {  	s2 =	sld [smem:$0x3FAE]  }
0x29: {  	s4 =	sld [smem:$0x3FB0]  }
0x2a: {  	p0 =	seq.s32 s5, $0x0;
	s5 =	sld [smem:$0x3FB1]  }
0x2b: {  	s6 =	sld [smem:$0x3FB2]  }
0x2c: {  	s7 =	sld [smem:$0x3FB3]  }
0x2d: {  	s3 =	simm.s32 $0x108;
	s8 =	sld [smem:$0x3FB4]  }
0x2e: {  	s3 =	simm.s32 @!p0 $0x1082;
	s9 =	sld [smem:$0x3FB5]  }
0x2f: {  	lr =	sadd.s32 s0, s3;
	s0 =	sld [smem:$0x3FAC]  }
0x30: {  	s3 =	sld [smem:$0x3FAF]  }
0x31: {  	[smem:$0x3FB8] =	sst s10  }
0x32: {  	s10 =	sld [smem:$0x3FB6];
	_ =	sdelay $0x3  }
0x33: {  	p0 =	seq.s32 s10, $0x1;
	s10 =	sld [smem:$0x3FB8];
	_ =	sdelay $0x3  }
0x34: {  	[smem:$0x3FB8] =	sst s10  }
0x35: {  	s10 =	sld [smem:$0x3FB7];
	_ =	sdelay $0x3  }
0x36: {  	p1 =	seq.s32 s10, $0x1;
	s10 =	sld [smem:$0x3FB8];
	_ =	sdelay $0x3  }
0x37: {  	[smem:$0x3FB8] =	sst s10  }
0x38: {  	s10 =	sld [smem:$0x3FB9]  }
0x39: {  	_ = 	snop;
	(pc) =	sbr.ind lr, $3  }
0x3a: {  	_ = 	snop  }
0x3b: {  	_ = 	snop  }
0x3c: {  	p2 =	seq.s32 s10, $0x1;
	s10 =	sld [smem:$0x3FB8]  }
0x3d: {  	_ =	shalt  }
0x3e: {  	_ =	shalt  }
0x3f: {  	_ =	shalt  }
0x40: {  	_ =	shalt  }
0x41: {  	_ =	shalt  }
0x42: {  	_ =	shalt  }
0x43: {  	_ =	shalt  }
0x44: {  	_ =	shalt  }
0x45: {  	_ =	shalt  }
0x46: {  	_ =	shalt  }
0x47: {  	_ =	shalt  }
0x48: {  	_ =	shalt  }
0x49: {  	_ =	shalt  }
0x4a: {  	_ =	shalt  }
0x4b: {  	_ =	shalt  }
0x4c: {  	_ =	shalt  }
0x4d: {  	_ =	shalt  }
0x4e: {  	_ =	shalt  }
0x4f: {  	_ =	shalt  }
0x50: {  	_ =	shalt  }
0x51: {  	_ =	shalt  }
0x52: {  	_ =	shalt  }
0x53: {  	_ =	shalt  }
0x54: {  	_ =	shalt  }
0x55: {  	_ =	shalt  }
0x56: {  	_ =	shalt  }
0x57: {  	_ =	shalt  }
0x58: {  	_ =	shalt  }
0x59: {  	_ =	shalt  }
0x5a: {  	_ =	shalt  }
0x5b: {  	_ =	shalt  }
0x5c: {  	_ =	shalt  }
0x5d: {  	_ =	shalt  }
0x5e: {  	_ =	shalt  }
0x5f: {  	_ =	shalt  }
0x60: {  	_ =	shalt  }
0x61: {  	_ =	shalt  }
0x62: {  	_ =	shalt  }
0x63: {  	_ =	shalt  }
0x64: {  	_ =	shalt  }
0x65: {  	_ =	shalt  }
0x66: {  	_ =	shalt  }
0x67: {  	_ =	shalt  }
0x68: {  	_ =	shalt  }
0x69: {  	_ =	shalt  }
0x6a: {  	_ =	shalt  }
0x6b: {  	_ =	shalt  }
0x6c: {  	_ =	shalt  }
0x6d: {  	_ =	shalt  }
0x6e: {  	_ =	shalt  }
0x6f: {  	_ =	shalt  }
0x70: {  	_ =	shalt  }
0x71: {  	_ =	shalt  }
0x72: {  	_ =	shalt  }
0x73: {  	_ =	shalt  }
0x74: {  	_ =	shalt  }
0x75: {  	_ =	shalt  }
0x76: {  	_ =	shalt  }
0x77: {  	_ =	shalt  }
0x78: {  	_ =	shalt  }
0x79: {  	_ =	shalt  }
0x7a: {  	_ =	shalt  }
0x7b: {  	_ =	shalt  }
0x7c: {  	_ =	shalt  }
0x7d: {  	_ =	shalt  }
0x7e: {  	_ =	shalt  }
0x7f: {  	_ =	shalt  }
0x80: {  	_ =	shalt  }
0x81: {  	_ =	shalt  }
0x82: {  	_ =	shalt  }
0x83: {  	_ =	shalt  }
0x84: {  	_ =	shalt  }
0x85: {  	_ =	shalt  }
0x86: {  	_ =	shalt  }
0x87: {  	_ =	shalt  }
.Lfunc_end0:
.L_simem_size_0:
called_computation_lowered:
.L_overlay_start_0:
0x88: {  	s2 =	sld [smem:$0x3FD9]  }
0x89: {  	s3 =	sld [smem:$0x3FFE];
	_ =	sdelay $0x1  }
0x8a: {  	s1 =	srdreg.scid  }
0x8b: {  	s0 =	sand.u32 $0x1, s1  }
0x8c: {  	s17 =	sshll.u32 s0, $0xA;
	s2 =	sadd.s32 s3, s2  }
0x8d: {  	s2 =	sadd.s32 s2, s17  }
0x8e: {  	[smem:$0x3FC4] =	sst s2  }
0x8f: {  	_ = 	snop  }
0x90: {  	s2 =	sld [smem:$0x3FC9]  }
0x91: {  	s18 =	sld [smem:$0x3FC8];
	(tm) =	ssettm $0x1  }
0x92: {  	s4 =	sld [smem:$0x3FFB];
	_ =	sdelay $0x3  }
0x93: {  	_ =	strace s4  }
0x94: {  	s4 =	sld [smem:$0x3FFC];
	_ =	sdelay $0x3  }
0x95: {  	_ =	strace s4  }
0x96: {  	s4 =	sld [smem:$0x3FFD];
	_ =	sdelay $0x3  }
0x97: {  	_ =	strace s4  }
0x98: {  	_ =	strace $0x8FFFFFFF  }
0x99: {  	s19 =	sld [smem:$0x3FDB];
	_ =	sdelay $0x1  }
0x9a: {  	s5 =	simm.s32 $_scs_section_size  }
0x9b: {  	s6 =	simm.s32 $_size__tile_overlayer_lowered;
	s7 =	simm.s32 $_tile_overlayer_lowered  }
0x9c: {  	s22 =	simm.s32 $0x1BFF;
	s21 =	sshll.u32 s7, $0x1;
	s4 =	sadd.s32 s5, s19  }
0x9d: {  	s8 =	simm.s32 $0x0;
	s20 =	sshll.u32 s6, $0x1;
	s6 =	sadd.s32 s21, s4  }
0x9e: {  	[timem:s8], [sflag:s22] =	dma.local [hbm:s6], s20  }
0x9f: {  	_ =	swait.ge [sflag:s22], s20  }
0xa0: {  	s5 =	ssub.s32 $0x0, s20;
	[sflag:s22] =	ssyncset.done $0x0  }
0xa1: {  	[sflag:s22] =	ssyncadd.s32 s5;
	_ =	sdelay $0x1  }
0xa2: {  	s23 =	simm.s32 $0x1B8B  }
0xa3: {  	_ =	swait.ge [sflag:s23], $0x1  }
0xa4: {  	[sflag:s23] =	ssyncset.done $0x0  }
0xa5: {  	s25 =	simm.s32 $0x1B8E;
	s24 =	sld [smem:$0x3FFE];
	[sflag:s23] =	ssyncadd.s32 $0xFFFFFFFF  }
0xa6: {  	s26 =	simm.s32 $execute0_lowered;
	[smem:$0x3FD2] =	sst s25  }
0xa7: {  	s6 =	sshll.u32 s26, $0x1;
	_ =	strace $0x80000046;
	[dreg:$0x1] =	wrdreg $0xFFFFFFFF  }
0xa8: {  	s28 =	simm.s32 $_size_execute0_lowered;
	s4 =	sadd.s32 s4, s6;
	[dreg:$0x0] =	wrdreg $0x0  }
0xa9: {  	s6 =	sshll.u32 s28, $0x1;
	[dreg:$0x2] =	wrdreg s4  }
0xaa: {  	[dreg:$0x3] =	wrdreg s6  }
0xab: {  	[dreg:$0x4] =	wrdreg $0xC0  }
0xac: {  	_ =	task [dreg:s8], $0x5FFFF  }
0xad: {  	[dreg:$0x1] =	wrdreg $0xFFFFFFFF  }
0xae: {  	[dreg:$0x0] =	wrdreg $0x60  }
0xaf: {  	[dreg:$0x2] =	wrdreg s2  }
0xb0: {  	[dreg:$0x3] =	wrdreg s18  }
0xb1: {  	[dreg:$0x4] =	wrdreg s24  }
0xb2: {  	[dreg:$0x5] =	wrdreg $0x9  }
0xb3: {  	_ =	task.clear_ibuf [dreg:s8], $0x6FFFF;
	_ =	strace $0x90000046  }
0xb4: {  	s29 =	simm.s32 $0x9;
	_ =	strace $0x80000048  }
0xb5: {  	_ =	swait.ge [sflag:s29], $0x1  }
0xb6: {  	[sflag:s29] =	ssyncadd.s32 $0xFFFFFFFF  }
0xb7: {  	_ =	strace $0x90000048  }
0xb8: {  	_ =	sfence  }
0xb9: {  	s30 =	sld [smem:$0x0];
	_ =	sdelay $0x2  }
0xba: {  	s31 =	sshll.u32 s1, $0xD;
	s1 =	sshrl.u32 s1, $0x2  }
0xbb: {  	s3 =	sand.u32 $0x4000, s31;
	s1 =	sadd.s32 s1, s30  }
0xbc: {  	s0 =	sor.u32 s3, s0;
	s1 =	sshll.u32 s1, $0x11  }
0xbd: {  	s0 =	sor.u32 s1, s0  }
0xbe: {  	s0 =	sadd.s32 $0x8F2B, s0  }
0xbf: {  	[sflag:s0] =	ssyncadd.remote.s32 $0x1  }
0xc0: {  	_ =	sfence.sel $0xFFFF  }
0xc1: {  	[dreg:$0x0] =	wrdreg $0xFFFFFFFF;
	(pc) =	sbr.abs _section_cstart, $3  }
0xc2: {  	[dreg:$0x1] =	wrdreg $0xFFFFFFFF  }
0xc3: {  	_ =	task.clear_ibuf [dreg:s8], $0x2FFFF;
	_ =	strace $0x9FFFFFFF  }
0xc4: {  	(tm) =	ssettm $0x7FFFFFFF  }
0xc5: {  	_ =	shalt  }
tec
execute0_lowered:
.L_overlay_start_1:
0x0: {  	(tag) =	ssettag $0x1  }
0x1: {  	s5 =	rddreg [dreg:$0x0];
	s1 =	srdreg.scid  }
0x2: {  	s0 =	stileid.u32;
	s6 =	rddreg [dreg:$0x1]  }
0x3: {  	s8 =	rddreg [dreg:$0x2];
	s3 =	sand.u32 $0x1, s1;
	s31 =	sshll.u32 s0, $0x1  }
0x4: {  	s2 =	simm.s32 $0x0;
	s1 =	rddreg [dreg:$0x3];
	s10 =	sor.u32 s3, s31  }
0x5: {  	[smem:$0x7FF] =	sst s2;
	s3 =	ssub.s32 $0x2, s3;
	s4 =	smul.u32 $0xF43, s10  }
0x6: {  	_ =	strace $0x80000047;
	s9 =	sshrl.u32 s3, $0x1;
	p0 =	seq.s32 s10, $0x1F  }
0x7: {  	s9 =	ssub.s32 s3, s9;
	s7 =	sadd.s32 s4, s8;
	s3 =	sadd.s32 s5, s4  }
0x8: {  	s4 =	sadd.s32 s6, s4;
	s5 =	sadd.s32 $0x1D91D, s5;
	s6 =	sadd.s32 $0x1D91D, s6  }
0x9: {  	s8 =	sadd.s32 $0x1E71D, s8;
	s9 =	smax.u32 s9, $0x1;
	s7 =	sadd.s32 $0xE00, s7  }
.LBB2_1:
0xa: {  	s10 =	simm.s32 @p0 $0x0;
	s11 =	simm.s32 @p0 $0x1  }
0xb: {  	[tilespmem:s10], [sflag:$0x1] =	stream.linear.gather @p0 [hbm4b:s5+s10], $0x7958, $0x38;
	[tilespmem:$0x16F80] =	vst v63  }
0xc: {  	_ =	swait.ge @p0 [sflag:s11], $0x7958  }
0xd: {  	[sflag:s11] =	ssyncset.done @p0 $0x0  }
0xe: {  	s12 =	simm.s32 @p0 $0x7A80;
	[sflag:s11] =	ssyncadd.s32 @p0 $0xFFFF86A8  }
0xf: {  	[tilespmem:s12], [sflag:$0x1] =	stream.linear.gather @p0 [hbm4b:s6+s10], $0x7958, $0x38;
	[tilespmem:$0x16F80] =	vst v63  }
0x10: {  	_ =	swait.ge @p0 [sflag:s11], $0x7958  }
0x11: {  	[sflag:s11] =	ssyncset.done @p0 $0x0  }
0x12: {  	s10 =	simm.s32 @!p0 $0x0;
	[sflag:s11] =	ssyncadd.s32 @p0 $0xFFFF86A8;
	s11 =	simm.s32 @!p0 $0x1  }
0x13: {  	[tilespmem:s10], [sflag:$0x1] =	stream.linear.gather @!p0 [hbm4b:s3+s10], $0x7A18, $0x38;
	[tilespmem:$0x16F80] =	vst v63  }
0x14: {  	_ =	swait.ge @!p0 [sflag:s11], $0x7A18  }
0x15: {  	[sflag:s11] =	ssyncset.done @!p0 $0x0  }
0x16: {  	s12 =	simm.s32 @!p0 $0x7A80;
	[sflag:s11] =	ssyncadd.s32 @!p0 $0xFFFF85E8  }
0x17: {  	[tilespmem:s12], [sflag:$0x1] =	stream.linear.gather @!p0 [hbm4b:s4+s10], $0x7A18, $0x38;
	[tilespmem:$0x16F80] =	vst v63  }
0x18: {  	_ =	swait.ge @!p0 [sflag:s11], $0x7A18  }
0x19: {  	[sflag:s11] =	ssyncset.done @!p0 $0x0  }
0x1a: {  	[sflag:s11] =	ssyncadd.s32 @!p0 $0xFFFF85E8;
	s11 =	simm.s32 $0x0  }
0x1b: {  	v1 =	vld [tilespmem:s11+$0x30]  }
0x1c: {  	v2 =	vld [tilespmem:s11+$0x7AB0]  }
0x1d: {  	v5 =	vld [tilespmem:s11+$0x0]  }
0x1e: {  	v6 =	vld [tilespmem:s11+$0x7A80]  }
0x1f: {  	v3 =	vld [tilespmem:s11+$0x10]  }
0x20: {  	v4 =	vld [tilespmem:s11+$0x7A90]  }
0x21: {  	v0 =	vld [tilespmem:s11+$0x20];
	v1 =	vadd.s32 $0x8000, v1;
	v7 =	vadd.s32 $0x8000, v2  }
0x22: {  	s10 =	simm.s32 $0x40;
	v5 =	vadd.s32 $0x8000, v5;
	v2 =	vld [tilespmem:s11+$0x7AA0];
	v8 =	vand.u32 $0xFFFF0000, v1;
	v7 =	vshrl.u32 v7, $0x10  }
0x23: {  	s12 =	simm.s32 $0x200;
	v6 =	vadd.s32 $0x8000, v6;
	v1 =	vld [tilespmem:s10+$0x30];
	v5 =	vand.u32 $0xFFFF0000, v5;
	v7 =	vor.u32 v8, v7  }
.LBB2_2:
0x24: {  	p1 =	sne.s32 s12, $0x1E800;
	v8 =	vld [tilespmem:s10+$0x7AB0];
	v6 =	vshrl.u32 v6, $0x10;
	v3 =	vadd.s32 $0x8000, v3;
	[tilespmem:s11+$0xF530] =	vst v7  }
0x25: {  	v7 =	vld [tilespmem:s10+$0x0];
	v5 =	vor.u32 v5, v6;
	v4 =	vadd.s32 $0x8000, v4;
	v6 =	vand.u32 $0xFFFF0000, v3  }
0x26: {  	v9 =	vld [tilespmem:s10+$0x7A80];
	[tilespmem:s11+$0xF500] =	vst v5;
	v4 =	vshrl.u32 v4, $0x10;
	v0 =	vadd.s32 $0x8000, v0  }
.Ltmp0:
0x27: {  	v3 =	vld [tilespmem:s10+$0x10];
	v5 =	vor.u32 v6, v4;
	v2 =	vadd.s32 $0x8000, v2;
	v6 =	vand.u32 $0xFFFF0000, v0;
	(pc) =	sbr.rel @p1 .LBB2_2-.Ltmp0, $4  }
0x28: {  	v4 =	vld [tilespmem:s10+$0x7A90];
	[tilespmem:s11+$0xF510] =	vst v5;
	v2 =	vshrl.u32 v2, $0x10  }
0x29: {  	v1 =	vadd.s32 $0x8000, v1;
	v0 =	vld [tilespmem:s10+$0x20];
	v5 =	vadd.s32 $0x8000, v8;
	v6 =	vor.u32 v6, v2  }
0x2a: {  	v8 =	vand.u32 $0xFFFF0000, v1;
	v7 =	vadd.s32 $0x8000, v7;
	v2 =	vld [tilespmem:s10+$0x7AA0];
	v10 =	vshrl.u32 v5, $0x10;
	[tilespmem:s11+$0xF520] =	vst v6;
	s11 =	smov.u32 s10;
	s10 =	sshra.s32 s12, $0x2  }
0x2b: {  	s12 =	sadd.s32 $0x100, s12;
	v1 =	vld [tilespmem:s10+$0x30];
	v6 =	vadd.s32 $0x8000, v9;
	v5 =	vand.u32 $0xFFFF0000, v7;
	v7 =	vor.u32 v8, v10  }
0x2c: {  	v8 =	vld [tilespmem:s10+$0x7AB0];
	[tilespmem:s11+$0xF530] =	vst v7;
	v6 =	vshrl.u32 v6, $0x10  }
0x2d: {  	v3 =	vadd.s32 $0x8000, v3;
	v7 =	vld [tilespmem:s10+$0x0];
	v5 =	vor.u32 v5, v6;
	v4 =	vadd.s32 $0x8000, v4  }
0x2e: {  	v56 =	vld [tilespmem:s10+$0x7A80];
	v3 =	vand.u32 $0xFFFF0000, v3;
	[tilespmem:s11+$0xF500] =	vst v5;
	v4 =	vshrl.u32 v4, $0x10  }
0x2f: {  	v5 =	vld [tilespmem:s10+$0x10];
	v3 =	vor.u32 v3, v4  }
0x30: {  	v0 =	vadd.s32 $0x8000, v0;
	v57 =	vld [tilespmem:s10+$0x7A90];
	v2 =	vadd.s32 $0x8000, v2;
	[tilespmem:s11+$0xF510] =	vst v3  }
0x31: {  	v0 =	vand.u32 $0xFFFF0000, v0;
	v2 =	vshrl.u32 v2, $0x10;
	v3 =	vld [tilespmem:s10+$0x20]  }
0x32: {  	v1 =	vadd.s32 $0x8000, v1;
	v0 =	vor.u32 v0, v2;
	v58 =	vld [tilespmem:s10+$0x7AA0]  }
0x33: {  	v8 =	vadd.s32 $0x8000, v8;
	v1 =	vand.u32 $0xFFFF0000, v1;
	v7 =	vadd.s32 $0x8000, v7  }
0x34: {  	v8 =	vshrl.u32 v8, $0x10;
	v6 =	vadd.s32 $0x8000, v56;
	v7 =	vand.u32 $0xFFFF0000, v7  }
0x35: {  	v1 =	vor.u32 v1, v8;
	v6 =	vshrl.u32 v6, $0x10;
	v5 =	vadd.s32 $0x8000, v5  }
0x36: {  	[tilespmem:s11+$0xF520] =	vst v0;
	v59 =	vor.u32 v7, v6;
	v4 =	vadd.s32 $0x8000, v57;
	v5 =	vand.u32 $0xFFFF0000, v5  }
0x37: {  	[tilespmem:s10+$0xF530] =	vst v1;
	v60 =	vshrl.u32 v4, $0x10;
	v3 =	vadd.s32 $0x8000, v3;
	v2 =	vadd.s32 $0x8000, v58  }
0x38: {  	[tilespmem:s10+$0xF500] =	vst v59;
	v61 =	vor.u32 v5, v60;
	v62 =	vand.u32 $0xFFFF0000, v3;
	v2 =	vshrl.u32 v2, $0x10  }
0x39: {  	[tilespmem:s10+$0xF510] =	vst v61;
	v63 =	vor.u32 v62, v2  }
0x3a: {  	s11 =	simm.s32 @p0 $0xF500;
	[tilespmem:s10+$0xF520] =	vst v63;
	s10 =	simm.s32 @p0 $0x0  }
0x3b: {  	[hbm4b:s8+s10] =	stream.linear.scatter @p0 [tilespmem:s11], [sflag:$0x1], $0x7958, $0x38;
	[tilespmem:$0x16F80] =	vst v63  }
0x3c: {  	s10 =	simm.s32 @p0 $0x1  }
0x3d: {  	s2 =	sadd.s32 $0x1, s2;
	_ =	swait.ge @p0 [sflag:s10], $0x7958  }
0x3e: {  	p1 =	sne.s32 s2, s9;
	[sflag:s10] =	ssyncset.done @p0 $0x0  }
0x3f: {  	s11 =	simm.s32 @!p0 $0xF500;
	[sflag:s10] =	ssyncadd.s32 @p0 $0xFFFF86A8;
	s10 =	simm.s32 @!p0 $0x0  }
0x40: {  	[hbm4b:s7+s10] =	stream.linear.scatter @!p0 [tilespmem:s11], [sflag:$0x1], $0x7A18, $0x38;
	[tilespmem:$0x16F80] =	vst v63  }
.Ltmp1:
0x41: {  	_ = 	snop;
	(pc) =	sbr.rel @p1 .LBB2_1-.Ltmp1, $4  }
0x42: {  	s10 =	simm.s32 @!p0 $0x1  }
0x43: {  	_ =	swait.ge @!p0 [sflag:s10], $0x7A18  }
0x44: {  	[sflag:s10] =	ssyncset.done @!p0 $0x0  }
0x45: {  	[sflag:s10] =	ssyncadd.s32 @!p0 $0xFFFF85E8  }
0x46: {  	_ =	sfence.sel $0x180000  }
0x47: {  	[bflag:$0x0] =	sbarrier.arrive $0xFFFF  }
0x48: {  	p0 =	sne.s32 s0, $0x0;
	_ =	strace $0x90000047  }
0x49: {  	s0 =	sadd.s32 @!p0 $0x100000, s1;
	[bflag:$0x2] =	sbarrier.arrive $0xFFFF  }
0x4a: {  	[sflag:s0] =	ssyncadd.tile.s32 @!p0 $0x1;
	_ =	shalt  }
.Lfunc_end2:
_tile_overlayer_lowered:
.L_overlay_start_2:
0x4b: {  	(tag) =	ssettag $0x2  }
0x4c: {  	s0 =	rddreg [dreg:$0x0];
	s2 =	stileid.u32  }
0x4d: {  	s1 =	rddreg [dreg:$0x1];
	p0 =	sne.s32 s2, $0x0  }
0x4e: {  	s3 =	rddreg [dreg:$0x2];
	[bflag:$0x3] =	sbarrier.arrive $0xFFFF;
	s2 =	simm.s32 @!p0 $0x1C01  }
0x4f: {  	[timem:s3], [sflag:s2] =	dma.local @!p0 [hbm:s0], s1  }
0x50: {  	s0 =	simm.s32 @!p0 $0x1  }
0x51: {  	_ =	swait.ge @!p0 [sflag:s0], s1  }
0x52: {  	s1 =	ssub.s32 @!p0 $0x0, s1;
	[sflag:s0] =	ssyncset.done @!p0 $0x0  }
0x53: {  	[sflag:s0] =	ssyncadd.s32 @!p0 s1  }
0x54: {  	[bflag:$0x3] =	sbarrier.arrive $0xFFFF  }
0x55: {  	_ =	shalt  }

// kernel: kernel.8.cloned.1.call-start
scs
__scs_entry_jumppad:
0x0: {  	(pc) =	sbr.rel $0x88, $3  }
0x1: {  	(tag) =	ssettag $0x0;
	lr =	simm.s32 $0x1  }
0x2: {  	[smem:$0x3F9D] =	sst lr;
	_ =	strace $0xD0000000  }
0x3: {  	_ = 	snop  }
0x4: {  	_ = 	snop  }
0x5: {  	_ = 	snop  }
0x6: {  	_ = 	snop  }
0x7: {  	_ = 	snop  }
__scs_overlays_trampoline_lowered:
0x8: {  	[smem:$0x3FAC] =	sst s0  }
0x9: {  	[smem:$0x3FAD] =	sst s1  }
0xa: {  	[smem:$0x3FAE] =	sst s2  }
0xb: {  	[smem:$0x3FAF] =	sst s3  }
0xc: {  	[smem:$0x3FB0] =	sst s4  }
0xd: {  	[smem:$0x3FB1] =	sst s5  }
0xe: {  	[smem:$0x3FB2] =	sst s6  }
0xf: {  	[smem:$0x3FB3] =	sst s7  }
0x10: {  	[smem:$0x3FB4] =	sst s8  }
0x11: {  	[smem:$0x3FB5] =	sst s9;
	s0 =	simm.s32 @!p0 $0x0  }
0x12: {  	s1 =	sld [smem:$0x3F9B];
	s0 =	simm.s32 @p0 $0x1  }
0x13: {  	[smem:$0x3FB6] =	sst s0;
	s0 =	simm.s32 @!p1 $0x0  }
0x14: {  	s2 =	sld [smem:$0x3F9A];
	s0 =	simm.s32 @p1 $0x1  }
0x15: {  	[smem:$0x3FB7] =	sst s0;
	s0 =	simm.s32 @!p2 $0x0  }
0x16: {  	s3 =	sld [smem:$0x3FDB];
	s0 =	simm.s32 @p2 $0x1  }
0x17: {  	s4 =	simm.s32 $0x1BF5;
	[smem:$0x3FB9] =	sst s0  }
0x18: {  	s0 =	sld [smem:$0x3F9C];
	_ =	swait.ge [sflag:s4], $0x0  }
0x19: {  	s7 =	sld [smem:$0x3F9D]  }
0x1a: {  	s8 =	sadd.s32 $0xFFFFE003, lr  }
0x1b: {  	s9 =	sadd.s32 $0xFFFFFEF7, lr;
	s5 =	simm.s32 $0xFFFFFFFF;
	p2 =	slt.u32 s8, $0xFFFFF086  }
0x1c: {  	p1 =	slt.u32 s9, $0xF7A;
	s5 =	simm.s32 @!p2 $0x0  }
0x1d: {  	s5 =	simm.s32 @p1 $0x1;
	p0 =	seq.s32 s7, s2  }
0x1e: {  	s7 =	smul.u32 @!p0 $0xF7A, s2;
	p2 =	seq.s32 @!p0 s5, $0x0  }
0x1f: {  	s9 =	smul.u32 $0xF7A, s1;
	s8 =	simm.s32 @!p0 $0x1BF5;
	p2 =	por !p2, p0  }
0x20: {  	[sflag:s8] =	ssyncset.s32 @!p0 $0xFFFFF086;
	s6 =	sadd.s32 @!p0 s3, s7;
	s7 =	simm.s32 @!p0 $0x108  }
0x21: {  	s3 =	sadd.s32 s3, s9;
	s6 =	sadd.s32 @!p0 $0x88, s6;
	s7 =	simm.s32 @p2 $0x1082  }
0x22: {  	[simem:s7], [sflag:s8] =	dma.local @!p0 [hbm:s6], $0xF7A  }
0x23: {  	s9 =	sor.u32 $0xD0000000, s2;
	s6 =	simm.s32 $0x108;
	_ =	swait.ge @!p0 [sflag:s8], $0x0  }
0x24: {  	s3 =	sadd.s32 $0x88, s3;
	s6 =	simm.s32 @!p1 $0x1082;
	[sflag:s4] =	ssyncset.s32 $0xFFFFF086  }
0x25: {  	[simem:s6], [sflag:s4] =	dma.local [hbm:s3], $0xF7A  }
0x26: {  	[smem:$0x3F9D] =	sst s1;
	(tag) =	ssettag s2;
	_ =	strace s9  }
0x27: {  	s1 =	sld [smem:$0x3FAD]  }
0x28: {  	s2 =	sld [smem:$0x3FAE]  }
0x29: {  	s4 =	sld [smem:$0x3FB0]  }
0x2a: {  	p0 =	seq.s32 s5, $0x0;
	s5 =	sld [smem:$0x3FB1]  }
0x2b: {  	s6 =	sld [smem:$0x3FB2]  }
0x2c: {  	s7 =	sld [smem:$0x3FB3]  }
0x2d: {  	s3 =	simm.s32 $0x108;
	s8 =	sld [smem:$0x3FB4]  }
0x2e: {  	s3 =	simm.s32 @!p0 $0x1082;
	s9 =	sld [smem:$0x3FB5]  }
0x2f: {  	lr =	sadd.s32 s0, s3;
	s0 =	sld [smem:$0x3FAC]  }
0x30: {  	s3 =	sld [smem:$0x3FAF]  }
0x31: {  	[smem:$0x3FB8] =	sst s10  }
0x32: {  	s10 =	sld [smem:$0x3FB6];
	_ =	sdelay $0x3  }
0x33: {  	p0 =	seq.s32 s10, $0x1;
	s10 =	sld [smem:$0x3FB8];
	_ =	sdelay $0x3  }
0x34: {  	[smem:$0x3FB8] =	sst s10  }
0x35: {  	s10 =	sld [smem:$0x3FB7];
	_ =	sdelay $0x3  }
0x36: {  	p1 =	seq.s32 s10, $0x1;
	s10 =	sld [smem:$0x3FB8];
	_ =	sdelay $0x3  }
0x37: {  	[smem:$0x3FB8] =	sst s10  }
0x38: {  	s10 =	sld [smem:$0x3FB9]  }
0x39: {  	_ = 	snop;
	(pc) =	sbr.ind lr, $3  }
0x3a: {  	_ = 	snop  }
0x3b: {  	_ = 	snop  }
0x3c: {  	p2 =	seq.s32 s10, $0x1;
	s10 =	sld [smem:$0x3FB8]  }
0x3d: {  	_ =	shalt  }
0x3e: {  	_ =	shalt  }
0x3f: {  	_ =	shalt  }
0x40: {  	_ =	shalt  }
0x41: {  	_ =	shalt  }
0x42: {  	_ =	shalt  }
0x43: {  	_ =	shalt  }
0x44: {  	_ =	shalt  }
0x45: {  	_ =	shalt  }
0x46: {  	_ =	shalt  }
0x47: {  	_ =	shalt  }
0x48: {  	_ =	shalt  }
0x49: {  	_ =	shalt  }
0x4a: {  	_ =	shalt  }
0x4b: {  	_ =	shalt  }
0x4c: {  	_ =	shalt  }
0x4d: {  	_ =	shalt  }
0x4e: {  	_ =	shalt  }
0x4f: {  	_ =	shalt  }
0x50: {  	_ =	shalt  }
0x51: {  	_ =	shalt  }
0x52: {  	_ =	shalt  }
0x53: {  	_ =	shalt  }
0x54: {  	_ =	shalt  }
0x55: {  	_ =	shalt  }
0x56: {  	_ =	shalt  }
0x57: {  	_ =	shalt  }
0x58: {  	_ =	shalt  }
0x59: {  	_ =	shalt  }
0x5a: {  	_ =	shalt  }
0x5b: {  	_ =	shalt  }
0x5c: {  	_ =	shalt  }
0x5d: {  	_ =	shalt  }
0x5e: {  	_ =	shalt  }
0x5f: {  	_ =	shalt  }
0x60: {  	_ =	shalt  }
0x61: {  	_ =	shalt  }
0x62: {  	_ =	shalt  }
0x63: {  	_ =	shalt  }
0x64: {  	_ =	shalt  }
0x65: {  	_ =	shalt  }
0x66: {  	_ =	shalt  }
0x67: {  	_ =	shalt  }
0x68: {  	_ =	shalt  }
0x69: {  	_ =	shalt  }
0x6a: {  	_ =	shalt  }
0x6b: {  	_ =	shalt  }
0x6c: {  	_ =	shalt  }
0x6d: {  	_ =	shalt  }
0x6e: {  	_ =	shalt  }
0x6f: {  	_ =	shalt  }
0x70: {  	_ =	shalt  }
0x71: {  	_ =	shalt  }
0x72: {  	_ =	shalt  }
0x73: {  	_ =	shalt  }
0x74: {  	_ =	shalt  }
0x75: {  	_ =	shalt  }
0x76: {  	_ =	shalt  }
0x77: {  	_ =	shalt  }
0x78: {  	_ =	shalt  }
0x79: {  	_ =	shalt  }
0x7a: {  	_ =	shalt  }
0x7b: {  	_ =	shalt  }
0x7c: {  	_ =	shalt  }
0x7d: {  	_ =	shalt  }
0x7e: {  	_ =	shalt  }
0x7f: {  	_ =	shalt  }
0x80: {  	_ =	shalt  }
0x81: {  	_ =	shalt  }
0x82: {  	_ =	shalt  }
0x83: {  	_ =	shalt  }
0x84: {  	_ =	shalt  }
0x85: {  	_ =	shalt  }
0x86: {  	_ =	shalt  }
0x87: {  	_ =	shalt  }
.Lfunc_end0:
.L_simem_size_0:
called_computation.1_lowered:
.L_overlay_start_0:
0x88: {  	s2 =	sld [smem:$0x3FD9]  }
0x89: {  	s3 =	sld [smem:$0x3FFE];
	_ =	sdelay $0x1  }
0x8a: {  	s1 =	srdreg.scid  }
0x8b: {  	s0 =	sand.u32 $0x1, s1  }
0x8c: {  	s17 =	sshll.u32 s0, $0xA;
	s2 =	sadd.s32 s3, s2  }
0x8d: {  	s2 =	sadd.s32 s2, s17  }
0x8e: {  	[smem:$0x3FC4] =	sst s2  }
0x8f: {  	_ = 	snop  }
0x90: {  	s2 =	sld [smem:$0x3FD0];
	(tm) =	ssettm $0x1  }
0x91: {  	s18 =	sld [smem:$0x3FFB];
	_ =	sdelay $0x3  }
0x92: {  	_ =	strace s18  }
0x93: {  	s3 =	sld [smem:$0x3FFC];
	_ =	sdelay $0x3  }
0x94: {  	_ =	strace s3  }
0x95: {  	s3 =	sld [smem:$0x3FFD];
	_ =	sdelay $0x3  }
0x96: {  	_ =	strace s3  }
0x97: {  	_ =	strace $0x8FFFFFFF  }
0x98: {  	s19 =	sld [smem:$0x3FDB];
	_ =	sdelay $0x1  }
0x99: {  	s4 =	simm.s32 $_scs_section_size  }
0x9a: {  	s5 =	simm.s32 $_size__tile_overlayer_lowered;
	s6 =	simm.s32 $_tile_overlayer_lowered  }
0x9b: {  	s22 =	simm.s32 $0x1BFF;
	s21 =	sshll.u32 s6, $0x1;
	s3 =	sadd.s32 s4, s19  }
0x9c: {  	s7 =	simm.s32 $0x0;
	s20 =	sshll.u32 s5, $0x1;
	s5 =	sadd.s32 s21, s3  }
0x9d: {  	[timem:s7], [sflag:s22] =	dma.local [hbm:s5], s20  }
0x9e: {  	_ =	swait.ge [sflag:s22], s20  }
0x9f: {  	s4 =	ssub.s32 $0x0, s20;
	[sflag:s22] =	ssyncset.done $0x0  }
0xa0: {  	[sflag:s22] =	ssyncadd.s32 s4;
	_ =	sdelay $0x1  }
0xa1: {  	s23 =	simm.s32 $0x1B8B  }
0xa2: {  	_ =	swait.ge [sflag:s23], $0x1  }
0xa3: {  	[sflag:s23] =	ssyncset.done $0x0  }
0xa4: {  	s25 =	simm.s32 $0x1B8E;
	s24 =	sld [smem:$0x3FFE];
	[sflag:s23] =	ssyncadd.s32 $0xFFFFFFFF  }
0xa5: {  	s26 =	simm.s32 $execute0_lowered;
	[smem:$0x3FD2] =	sst s25  }
0xa6: {  	s5 =	sshll.u32 s26, $0x1;
	_ =	strace $0x80000049;
	[dreg:$0x1] =	wrdreg $0xFFFFFFFF  }
0xa7: {  	s28 =	simm.s32 $_size_execute0_lowered;
	s3 =	sadd.s32 s3, s5;
	[dreg:$0x0] =	wrdreg $0x0  }
0xa8: {  	s5 =	sshll.u32 s28, $0x1;
	[dreg:$0x2] =	wrdreg s3  }
0xa9: {  	[dreg:$0x3] =	wrdreg s5  }
0xaa: {  	[dreg:$0x4] =	wrdreg $0xC0  }
0xab: {  	_ =	task [dreg:s7], $0x5FFFF  }
0xac: {  	[dreg:$0x1] =	wrdreg $0xFFFFFFFF  }
0xad: {  	[dreg:$0x0] =	wrdreg $0x60  }
0xae: {  	[dreg:$0x2] =	wrdreg s24  }
0xaf: {  	[dreg:$0x3] =	wrdreg s2  }
0xb0: {  	[dreg:$0x4] =	wrdreg $0x9  }
0xb1: {  	_ =	task.clear_ibuf [dreg:s7], $0x5FFFF;
	_ =	strace $0x90000049  }
0xb2: {  	s29 =	simm.s32 $0x9;
	_ =	strace $0x8000004B  }
0xb3: {  	_ =	swait.ge [sflag:s29], $0x1  }
0xb4: {  	[sflag:s29] =	ssyncadd.s32 $0xFFFFFFFF  }
0xb5: {  	_ =	strace $0x9000004B  }
0xb6: {  	_ =	sfence  }
0xb7: {  	s30 =	sld [smem:$0x0];
	_ =	sdelay $0x2  }
0xb8: {  	s31 =	sshll.u32 s1, $0xD;
	s1 =	sshrl.u32 s1, $0x2  }
0xb9: {  	s3 =	sand.u32 $0x4000, s31;
	s1 =	sadd.s32 s1, s30  }
0xba: {  	s0 =	sor.u32 s3, s0;
	s1 =	sshll.u32 s1, $0x11  }
0xbb: {  	s0 =	sor.u32 s1, s0  }
0xbc: {  	s0 =	sadd.s32 $0x8F2B, s0  }
0xbd: {  	[sflag:s0] =	ssyncadd.remote.s32 $0x1  }
0xbe: {  	_ =	sfence.sel $0xFFFF  }
0xbf: {  	[dreg:$0x0] =	wrdreg $0xFFFFFFFF;
	(pc) =	sbr.abs _section_cstart, $3  }
0xc0: {  	[dreg:$0x1] =	wrdreg $0xFFFFFFFF  }
0xc1: {  	_ =	task.clear_ibuf [dreg:s7], $0x2FFFF;
	_ =	strace $0x9FFFFFFF  }
0xc2: {  	(tm) =	ssettm $0x7FFFFFFF  }
0xc3: {  	_ =	shalt  }
tec
execute0_lowered:
.L_overlay_start_1:
0x0: {  	(tag) =	ssettag $0x1  }
0x1: {  	s8 =	rddreg [dreg:$0x0]  }
0x2: {  	s3 =	rddreg [dreg:$0x1]  }
0x3: {  	s0 =	rddreg [dreg:$0x2]  }
0x4: {  	s4 =	srdreg.scid;
	s1 =	stileid.u32  }
0x5: {  	s2 =	simm.s32 $0x0;
	s9 =	sand.u32 $0x1, s4;
	s30 =	sshll.u32 s1, $0x1  }
0x6: {  	[smem:$0x7FF] =	sst s2;
	s5 =	sshll.u32 s1, $0xD;
	s4 =	sor.u32 s9, s30  }
0x7: {  	_ =	strace $0x8000004A;
	s12 =	ssub.s32 $0x2, s9;
	s6 =	sshll.u32 s4, $0xC  }
0x8: {  	s7 =	sshll.u32 s4, $0x5;
	s4 =	sadd.s32 s3, s6;
	s3 =	simm.s32 $0x2  }
0x9: {  	[tilespmem:s2], [sflag:$0x2] =	stream.linear.gather [hbm4b:s4+s2], $0x8000, $0x38;
	[tilespmem:$0x10000] =	vst v63  }
0xa: {  	s9 =	simm.s32 $0x80;
	s13 =	sshrl.u32 s12, $0x1;
	_ =	swait.ge [sflag:s3], $0x8000  }
0xb: {  	s31 =	sor.u32 s5, s7;
	s5 =	sadd.s32 $0xE00, s8;
	[sflag:s3] =	ssyncset.done $0x0  }
0xc: {  	s6 =	simm.s32 $0x8000;
	s7 =	simm.s32 $0x1;
	[sflag:s3] =	ssyncadd.s32 $0xFFFF8000  }
0xd: {  	[tilespmem:s6], [sflag:$0x1] =	stream.indirect.gather [hbm4b:s5+s6], $0x1, s2, s6, $0xb8;
	[tilespmem:$0x10000] =	vst v63  }
0xe: {  	s12 =	ssub.s32 s12, s13;
	s10 =	sand.u32 $0x1C060, s31;
	_ =	swait.ge [sflag:s7], $0x8000  }
0xf: {  	s13 =	smax.u32 s12, $0x1;
	s11 =	sadd.s32 s10, s8;
	[sflag:s7] =	ssyncset.done $0x0  }
0x10: {  	s10 =	simm.s32 $0x400;
	s8 =	sadd.s32 $0x1F800, s11;
	[sflag:s7] =	ssyncadd.s32 $0xFFFF8000  }
0x11: {  	[hbm4b:s8+s9] =	stream.strided.scatter [tilespmem:s6], [sflag:$0x2], $0x4000, s10, s9, $0x38;
	[tilespmem:$0x10000] =	vst v63  }
0x12: {  	p0 =	sne.s32 s13, $0x1;
	_ =	swait.ge [sflag:s3], $0x4000  }
.Ltmp0:
0x13: {  	[sflag:s3] =	ssyncset.done $0x0;
	(pc) =	sbr.rel @!p0 .LBB2_2-.Ltmp0, $4  }
0x14: {  	s12 =	simm.s32 $0xC000;
	s11 =	sadd.s32 $0x1F810, s11;
	[sflag:s3] =	ssyncadd.s32 $0xFFFFC000  }
0x15: {  	[hbm4b:s11+s9] =	stream.strided.scatter [tilespmem:s12], [sflag:$0x2], $0x4000, s10, s9, $0x38;
	[tilespmem:$0x10000] =	vst v63  }
0x16: {  	_ =	swait.ge [sflag:s3], $0x4000  }
0x17: {  	s13 =	sadd.s32 $0xFFFFFFFF, s13;
	[sflag:s3] =	ssyncset.done $0x0  }
.LBB2_1:
0x18: {  	p0 =	sne.s32 s13, $0x1;
	s13 =	sadd.s32 $0xFFFFFFFF, s13;
	[sflag:s3] =	ssyncadd.s32 $0xFFFFC000  }
0x19: {  	[tilespmem:s2], [sflag:$0x2] =	stream.linear.gather [hbm4b:s4+s2], $0x8000, $0x38;
	[tilespmem:$0x10000] =	vst v63  }
0x1a: {  	_ =	swait.ge [sflag:s3], $0x8000  }
0x1b: {  	[sflag:s3] =	ssyncset.done $0x0  }
0x1c: {  	[sflag:s3] =	ssyncadd.s32 $0xFFFF8000  }
0x1d: {  	[tilespmem:s6], [sflag:$0x1] =	stream.indirect.gather [hbm4b:s5+s6], $0x1, s2, s6, $0xb8;
	[tilespmem:$0x10000] =	vst v63  }
0x1e: {  	_ =	swait.ge [sflag:s7], $0x8000  }
0x1f: {  	[sflag:s7] =	ssyncset.done $0x0  }
0x20: {  	[sflag:s7] =	ssyncadd.s32 $0xFFFF8000  }
0x21: {  	[hbm4b:s8+s9] =	stream.strided.scatter [tilespmem:s6], [sflag:$0x2], $0x4000, s10, s9, $0x38;
	[tilespmem:$0x10000] =	vst v63  }
0x22: {  	_ =	swait.ge [sflag:s3], $0x4000  }
.Ltmp1:
0x23: {  	[sflag:s3] =	ssyncset.done $0x0;
	(pc) =	sbr.rel @p0 .LBB2_1-.Ltmp1, $4  }
0x24: {  	[sflag:s3] =	ssyncadd.s32 $0xFFFFC000  }
0x25: {  	[hbm4b:s11+s9] =	stream.strided.scatter [tilespmem:s12], [sflag:$0x2], $0x4000, s10, s9, $0x38;
	[tilespmem:$0x10000] =	vst v63  }
0x26: {  	_ =	swait.ge [sflag:s3], $0x4000  }
0x27: {  	[sflag:s3] =	ssyncset.done $0x0  }
.LBB2_2:
0x28: {  	[sflag:s3] =	ssyncadd.s32 $0xFFFFC000  }
0x29: {  	_ =	sfence.sel $0x180000  }
0x2a: {  	[bflag:$0x0] =	sbarrier.arrive $0xFFFF  }
0x2b: {  	p0 =	sne.s32 s1, $0x0;
	_ =	strace $0x9000004A  }
0x2c: {  	s0 =	sadd.s32 @!p0 $0x100000, s0;
	[bflag:$0x2] =	sbarrier.arrive $0xFFFF  }
0x2d: {  	[sflag:s0] =	ssyncadd.tile.s32 @!p0 $0x1;
	_ =	shalt  }
.Lfunc_end2:
_tile_overlayer_lowered:
.L_overlay_start_2:
0x2e: {  	(tag) =	ssettag $0x2  }
0x2f: {  	s0 =	rddreg [dreg:$0x0];
	s2 =	stileid.u32  }
0x30: {  	s1 =	rddreg [dreg:$0x1];
	p0 =	sne.s32 s2, $0x0  }
0x31: {  	s3 =	rddreg [dreg:$0x2];
	[bflag:$0x3] =	sbarrier.arrive $0xFFFF;
	s2 =	simm.s32 @!p0 $0x1C02  }
0x32: {  	[timem:s3], [sflag:s2] =	dma.local @!p0 [hbm:s0], s1  }
0x33: {  	s0 =	simm.s32 @!p0 $0x2  }
0x34: {  	_ =	swait.ge @!p0 [sflag:s0], s1  }
0x35: {  	s1 =	ssub.s32 @!p0 $0x0, s1;
	[sflag:s0] =	ssyncset.done @!p0 $0x0  }
0x36: {  	[sflag:s0] =	ssyncadd.s32 @!p0 s1  }
0x37: {  	[bflag:$0x3] =	sbarrier.arrive $0xFFFF  }
0x38: {  	_ =	shalt  }

</sc_bundles>
